<compile_context>
chip_gen: v7x
topology: tpu7x:2x2x1
jax: 0.10.2.dev20260603
libtpu: 0.0.44.dev20260713+nightly
codegen_flags: <defaults>
</compile_context>

<pallas_src>
import functools

import jax
import jax.numpy as jnp
from jax import lax
from jax.experimental import pallas as pl
from jax.experimental.pallas import tpu as pltpu
from jax.experimental.pallas import tpu_sc as plsc

HEADS = 32
NUM_REL = 3969
NUM_REL_PAD = 4096
NC, NS, L = 2, 16, 16
NW = NC * NS
HT = 8
NG = HEADS // HT
NQ = NW // NG
RR = 4


def _sc_gather(tableT, rel_index, n):
    rows_q = n // NQ
    CH = RR * n
    nch = rows_q // RR
    vpr = n // L
    assert nch % 2 == 0
    mesh = plsc.VectorSubcoreMesh(
        core_axis_name="c", subcore_axis_name="s", num_cores=NC, num_subcores=NS
    )

    @functools.partial(
        pl.kernel,
        out_type=jax.ShapeDtypeStruct((HEADS, n, n), jnp.float32),
        mesh=mesh,
        compiler_params=pltpu.CompilerParams(
            needs_layout_passes=False, use_tc_tiling_on_sc=True
        ),
        scratch_types=[
            pltpu.VMEM((HT * NUM_REL_PAD,), jnp.float32),
            pltpu.VMEM((2 * RR, n), jnp.int32),
            pltpu.VMEM((2 * HT * RR, n), jnp.float32),
            pltpu.SemaphoreType.DMA,
            pltpu.SemaphoreType.DMA,
            pltpu.SemaphoreType.DMA,
            pltpu.SemaphoreType.DMA,
        ],
    )
    def k(tableT_hbm, rel_hbm, out_hbm, tab_v, idx_v, out_v, is0, is1, os0, os1):
        wid = lax.axis_index("s") * NC + lax.axis_index("c")
        g = wid % NG
        q = wid // NG
        h0 = g * HT
        row0 = q * rows_q

        isems, osems = (is0, is1), (os0, os1)

        def idx_copy(a, b):
            return pltpu.make_async_copy(
                rel_hbm.at[pl.ds(row0 + a * RR, RR), :],
                idx_v.at[pl.ds(b * RR, RR), :],
                isems[b],
            )

        def out_drain(b):
            return pltpu.make_async_copy(
                out_hbm.at[0, pl.ds(0, HT * RR), :],
                out_v.at[pl.ds(b * HT * RR, HT * RR), :],
                osems[b],
            )

        idx_copy(0, 0).start()
        idx_copy(1, 1).start()
        tab_descs = [
            pltpu.async_copy(
                tableT_hbm.at[h0 + r],
                tab_v.at[pl.ds(r * NUM_REL_PAD, NUM_REL_PAD)],
                os0,
            )
            for r in range(HT)
        ]
        for d in tab_descs:
            d.wait()

        def half(t2, a, b):
            idx_copy(a, b).wait()

            @pl.when(t2 > 0)
            def _():
                out_drain(b).wait()

            srow = b * HT * RR

            @plsc.parallel_loop(0, CH // L, unroll=4)
            def gbody(j):
                r = j // vpr
                c = (j % vpr) * L
                iv = idx_v[b * RR + r, pl.ds(c, L)]
                for h in range(HT):
                    out_v[srow + h * RR + r, pl.ds(c, L)] = plsc.load_gather(
                        tab_v, [iv + h * NUM_REL_PAD]
                    )

            for h in range(HT):
                pltpu.async_copy(
                    out_v.at[pl.ds(srow + h * RR, RR), :],
                    out_hbm.at[h0 + h, pl.ds(row0 + a * RR, RR), :],
                    osems[b],
                )

            @pl.when(a + 2 < nch)
            def _():
                idx_copy(a + 2, b).start()

        def body(t2, _):
            half(t2, 2 * t2, 0)
            half(t2, 2 * t2 + 1, 1)
            return _

        lax.fori_loop(0, nch // 2, body, None)
        out_drain(0).wait()
        out_drain(1).wait()

    return k(tableT, rel_index)


def kernel(table, rel_index):
    n = rel_index.shape[0]
    tableT = jnp.pad(table.T, ((0, 0), (0, NUM_REL_PAD - NUM_REL)))
    return _sc_gather(tableT, rel_index, n)

# --- scband reference (transcript-rebuilt; emitter-appended) ---
"""Pipeline reference for scband-rel-pos-bias-46024869544411 (READ-ONLY COPY).

The authoritative reference and input builder live on the scoring server;
editing this copy changes nothing except your own understanding.
"""

import jax, jax.numpy as jnp
import numpy as np

Wh, Ww, HEADS = 32, 32, 32

def _rel_index(Wh, Ww):
    coords_h = np.arange(Wh)
    coords_w = np.arange(Ww)
    coords = np.stack(np.meshgrid(coords_h, coords_w, indexing='ij'))  # (2, Wh, Ww)
    coords_flat = coords.reshape(2, -1)  # (2, Wh*Ww)
    rel = coords_flat[:, :, None] - coords_flat[:, None, :]  # (2, N, N)
    rel = rel.transpose(1, 2, 0).copy()  # (N, N, 2)
    rel[:, :, 0] += Wh - 1
    rel[:, :, 1] += Ww - 1
    rel[:, :, 0] *= 2 * Ww - 1
    return rel.sum(-1)  # (N, N)


def setup_inputs(seed: int = 0) -> dict:
    key = jax.random.key(seed)
    num_rel = (2 * Wh - 1) * (2 * Ww - 1)
    # trunc_normal_(std=0.02) equivalent
    table = jax.random.truncated_normal(key, -2.0, 2.0, (num_rel, HEADS), dtype=jnp.float32) * 0.02
    rel_index = jnp.asarray(_rel_index(Wh, Ww), dtype=jnp.int32)
    return {"table": table, "rel_index": rel_index}


def reference(table, rel_index):
    N = rel_index.shape[0]
    heads = table.shape[1]
    bias = jnp.take(table, rel_index.reshape(-1), axis=0)  # (N*N, heads) gather
    bias = bias.reshape(N, N, heads)
    bias = jnp.transpose(bias, (2, 0, 1))  # (heads, N, N)
    return bias

if __name__ == "__main__":
    import jax
    _d = setup_inputs()
    print(jax.jit(kernel)(*tuple(_d.values())))

</pallas_src>

<mosaic_0001>
#map = affine_map<(d0, d1) -> (0, 0)>
#map1 = affine_map<(d0, d1) -> (0, 0, 0)>
module attributes {stable_mosaic.version = 14 : i64} {
  func.func @k(%arg0: i32, %arg1: i32, %arg2: memref<32x4096xf32, #tpu.memory_space<hbm>>, %arg3: memref<1024x1024xi32, #tpu.memory_space<hbm>>, %arg4: memref<32x1024x1024xf32, #tpu.memory_space<hbm>>, %arg5: memref<32768xf32, #tpu.memory_space<vmem>>, %arg6: memref<8x1024xi32, #tpu.memory_space<vmem>>, %arg7: memref<64x1024xf32, #tpu.memory_space<vmem>>, %arg8: memref<!tpu.dma_semaphore, #tpu.memory_space<semaphore_mem>>, %arg9: memref<!tpu.dma_semaphore, #tpu.memory_space<semaphore_mem>>, %arg10: memref<!tpu.dma_semaphore, #tpu.memory_space<semaphore_mem>>, %arg11: memref<!tpu.dma_semaphore, #tpu.memory_space<semaphore_mem>>) attributes {dimension_semantics = [#tpu.dimension_semantics<core_parallel>, #tpu.dimension_semantics<subcore_parallel>], iteration_bounds = array<i64: 2, 16>, scalar_prefetch = 0 : i64, scratch_operands = 7 : i64, tpu.core_type = #tpu.core_type<sc_vector_subcore>, window_params = [{transform_indices = #map}, {transform_indices = #map}, {transform_indices = #map1}]} {
    %mul3A = arith.constant 2 : i32
    %mul3A_0 = arith.muli %arg1, %mul3A : i32
    %add3A = arith.addi %mul3A_0, %arg0 : i32
    %jit3A = arith.constant 4 : i32
    %eq3A = arith.constant 0 : i32
    %eq3A_1 = arith.cmpi eq, %jit3A, %eq3A : i32
    %jit3A_2 = arith.constant 1 : i32
    %select_n3A = arith.select %eq3A_1, %jit3A_2, %jit3A : i32
    %rem3A = arith.remsi %add3A, %select_n3A : i32
    %ne3A = arith.constant 0 : i32
    %ne3A_3 = arith.cmpi ne, %rem3A, %ne3A : i32
    %lt3A = arith.constant 0 : i32
    %lt3A_4 = arith.cmpi slt, %rem3A, %lt3A : i32
    %lt3A_5 = arith.constant 0 : i32
    %lt3A_6 = arith.cmpi slt, %select_n3A, %lt3A_5 : i32
    %ne3A_7 = arith.xori %lt3A_4, %lt3A_6 : i1
    %and3A = arith.andi %ne3A_7, %ne3A_3 : i1
    %add3A_8 = arith.addi %rem3A, %select_n3A : i32
    %select_n3A_9 = arith.select %and3A, %add3A_8, %rem3A : i32
    %jit3A_10 = arith.constant 4 : i32
    %div3A = arith.divsi %add3A, %jit3A_10 : i32
    %sign3A = arith.constant 0 : i32
    %sign3A_11 = arith.cmpi sgt, %add3A, %sign3A : i32
    %sign3A_12 = arith.extui %sign3A_11 : i1 to i32
    %sign3A_13 = arith.constant 0 : i32
    %sign3A_14 = arith.cmpi slt, %add3A, %sign3A_13 : i32
    %sign3A_15 = arith.extui %sign3A_14 : i1 to i32
    %sign3A_16 = arith.subi %sign3A_12, %sign3A_15 : i32
    %sign3A_17 = arith.constant 0 : i32
    %sign3A_18 = arith.cmpi sgt, %jit3A_10, %sign3A_17 : i32
    %sign3A_19 = arith.extui %sign3A_18 : i1 to i32
    %sign3A_20 = arith.constant 0 : i32
    %sign3A_21 = arith.cmpi slt, %jit3A_10, %sign3A_20 : i32
    %sign3A_22 = arith.extui %sign3A_21 : i1 to i32
    %sign3A_23 = arith.subi %sign3A_19, %sign3A_22 : i32
    %ne3A_24 = arith.cmpi ne, %sign3A_16, %sign3A_23 : i32
    %rem3A_25 = arith.remsi %add3A, %jit3A_10 : i32
    %ne3A_26 = arith.constant 0 : i32
    %ne3A_27 = arith.cmpi ne, %rem3A_25, %ne3A_26 : i32
    %and3A_28 = arith.andi %ne3A_24, %ne3A_27 : i1
    %sub3A = arith.constant 1 : i32
    %sub3A_29 = arith.subi %div3A, %sub3A : i32
    %select_n3A_30 = arith.select %and3A_28, %sub3A_29, %div3A : i32
    %mul3A_31 = arith.constant 8 : i32
    %mul3A_32 = arith.muli %select_n3A_9, %mul3A_31 : i32
    %mul3A_33 = arith.constant 128 : i32
    %mul3A_34 = arith.muli %select_n3A_30, %mul3A_33 : i32
    %add3A_35 = arith.constant 0 : i32
    %add3A_36 = arith.addi %mul3A_34, %add3A_35 : i32
    %dma_start3A = arith.constant 0 : i32
    %dma_start3A_37 = arith.constant 0 : i32
    %dma_start3A_38 = tpu.memref_slice %arg6[%dma_start3A, %dma_start3A_37] : memref<8x1024xi32, #tpu.memory_space<vmem>> -> memref<4x1024xi32, #tpu.memory_space<vmem>>
    %dma_start3A_39 = arith.constant 0 : i32
    %dma_start3A_40 = tpu.memref_slice %arg3[%add3A_36, %dma_start3A_39] : memref<1024x1024xi32, #tpu.memory_space<hbm>> -> memref<4x1024xi32, #tpu.memory_space<hbm>>
    %dma_start3A_41 = arith.constant 0 : i32
    %dma_start3A_42 = arith.constant 0 : i32
    %dma_start3A_43 = tpu.memref_slice %arg6[%dma_start3A_41, %dma_start3A_42] : memref<8x1024xi32, #tpu.memory_space<vmem>> -> memref<4x1024xi32, #tpu.memory_space<vmem>>
    %dma_start3A_44 = arith.constant 0 : i32
    %dma_start3A_45 = tpu.memref_slice %arg3[%add3A_36, %dma_start3A_44] : memref<1024x1024xi32, #tpu.memory_space<hbm>> -> memref<4x1024xi32, #tpu.memory_space<hbm>>
    tpu.enqueue_dma source(%dma_start3A_45 : memref<4x1024xi32, #tpu.memory_space<hbm>>) target(%dma_start3A_43 : memref<4x1024xi32, #tpu.memory_space<vmem>>) target_semaphore(%arg8 : memref<!tpu.dma_semaphore, #tpu.memory_space<semaphore_mem>>)
    %add3A_46 = arith.constant 4 : i32
    %add3A_47 = arith.addi %mul3A_34, %add3A_46 : i32
    %dma_start3A_48 = arith.constant 4 : i32
    %dma_start3A_49 = arith.constant 0 : i32
    %dma_start3A_50 = tpu.memref_slice %arg6[%dma_start3A_48, %dma_start3A_49] : memref<8x1024xi32, #tpu.memory_space<vmem>> -> memref<4x1024xi32, #tpu.memory_space<vmem>>
    %dma_start3A_51 = arith.constant 0 : i32
    %dma_start3A_52 = tpu.memref_slice %arg3[%add3A_47, %dma_start3A_51] : memref<1024x1024xi32, #tpu.memory_space<hbm>> -> memref<4x1024xi32, #tpu.memory_space<hbm>>
    %dma_start3A_53 = arith.constant 4 : i32
    %dma_start3A_54 = arith.constant 0 : i32
    %dma_start3A_55 = tpu.memref_slice %arg6[%dma_start3A_53, %dma_start3A_54] : memref<8x1024xi32, #tpu.memory_space<vmem>> -> memref<4x1024xi32, #tpu.memory_space<vmem>>
    %dma_start3A_56 = arith.constant 0 : i32
    %dma_start3A_57 = tpu.memref_slice %arg3[%add3A_47, %dma_start3A_56] : memref<1024x1024xi32, #tpu.memory_space<hbm>> -> memref<4x1024xi32, #tpu.memory_space<hbm>>
    tpu.enqueue_dma source(%dma_start3A_57 : memref<4x1024xi32, #tpu.memory_space<hbm>>) target(%dma_start3A_55 : memref<4x1024xi32, #tpu.memory_space<vmem>>) target_semaphore(%arg9 : memref<!tpu.dma_semaphore, #tpu.memory_space<semaphore_mem>>)
    %add3A_58 = arith.constant 0 : i32
    %add3A_59 = arith.addi %mul3A_32, %add3A_58 : i32
    %dma_start3A_60 = arith.constant 0 : i32
    %dma_start3A_61 = tpu.memref_slice %arg5[%dma_start3A_60] : memref<32768xf32, #tpu.memory_space<vmem>> -> memref<4096xf32, #tpu.memory_space<vmem>>
    %dma_start3A_62 = arith.constant 0 : i32
    %dma_start3A_63 = tpu.memref_slice %arg2[%add3A_59, %dma_start3A_62] : memref<32x4096xf32, #tpu.memory_space<hbm>> -> memref<1x4096xf32, #tpu.memory_space<hbm>>
    %dma_start3A_64 = tpu.memref_squeeze %dma_start3A_63 : memref<1x4096xf32, #tpu.memory_space<hbm>> -> memref<4096xf32, #tpu.memory_space<hbm>>
    %dma_start3A_65 = arith.constant 0 : i32
    %dma_start3A_66 = tpu.memref_slice %arg5[%dma_start3A_65] : memref<32768xf32, #tpu.memory_space<vmem>> -> memref<4096xf32, #tpu.memory_space<vmem>>
    %dma_start3A_67 = arith.constant 0 : i32
    %dma_start3A_68 = tpu.memref_slice %arg2[%add3A_59, %dma_start3A_67] : memref<32x4096xf32, #tpu.memory_space<hbm>> -> memref<1x4096xf32, #tpu.memory_space<hbm>>
    %dma_start3A_69 = tpu.memref_squeeze %dma_start3A_68 : memref<1x4096xf32, #tpu.memory_space<hbm>> -> memref<4096xf32, #tpu.memory_space<hbm>>
    tpu.enqueue_dma source(%dma_start3A_69 : memref<4096xf32, #tpu.memory_space<hbm>>) target(%dma_start3A_66 : memref<4096xf32, #tpu.memory_space<vmem>>) target_semaphore(%arg10 : memref<!tpu.dma_semaphore, #tpu.memory_space<semaphore_mem>>)
    %add3A_70 = arith.constant 1 : i32
    %add3A_71 = arith.addi %mul3A_32, %add3A_70 : i32
    %dma_start3A_72 = arith.constant 4096 : i32
    %dma_start3A_73 = tpu.memref_slice %arg5[%dma_start3A_72] : memref<32768xf32, #tpu.memory_space<vmem>> -> memref<4096xf32, #tpu.memory_space<vmem>>
    %dma_start3A_74 = arith.constant 0 : i32
    %dma_start3A_75 = tpu.memref_slice %arg2[%add3A_71, %dma_start3A_74] : memref<32x4096xf32, #tpu.memory_space<hbm>> -> memref<1x4096xf32, #tpu.memory_space<hbm>>
    %dma_start3A_76 = tpu.memref_squeeze %dma_start3A_75 : memref<1x4096xf32, #tpu.memory_space<hbm>> -> memref<4096xf32, #tpu.memory_space<hbm>>
    %dma_start3A_77 = arith.constant 4096 : i32
    %dma_start3A_78 = tpu.memref_slice %arg5[%dma_start3A_77] : memref<32768xf32, #tpu.memory_space<vmem>> -> memref<4096xf32, #tpu.memory_space<vmem>>
    %dma_start3A_79 = arith.constant 0 : i32
    %dma_start3A_80 = tpu.memref_slice %arg2[%add3A_71, %dma_start3A_79] : memref<32x4096xf32, #tpu.memory_space<hbm>> -> memref<1x4096xf32, #tpu.memory_space<hbm>>
    %dma_start3A_81 = tpu.memref_squeeze %dma_start3A_80 : memref<1x4096xf32, #tpu.memory_space<hbm>> -> memref<4096xf32, #tpu.memory_space<hbm>>
    tpu.enqueue_dma source(%dma_start3A_81 : memref<4096xf32, #tpu.memory_space<hbm>>) target(%dma_start3A_78 : memref<4096xf32, #tpu.memory_space<vmem>>) target_semaphore(%arg10 : memref<!tpu.dma_semaphore, #tpu.memory_space<semaphore_mem>>)
    %add3A_82 = arith.constant 2 : i32
    %add3A_83 = arith.addi %mul3A_32, %add3A_82 : i32
    %dma_start3A_84 = arith.constant 8192 : i32
    %dma_start3A_85 = tpu.memref_slice %arg5[%dma_start3A_84] : memref<32768xf32, #tpu.memory_space<vmem>> -> memref<4096xf32, #tpu.memory_space<vmem>>
    %dma_start3A_86 = arith.constant 0 : i32
    %dma_start3A_87 = tpu.memref_slice %arg2[%add3A_83, %dma_start3A_86] : memref<32x4096xf32, #tpu.memory_space<hbm>> -> memref<1x4096xf32, #tpu.memory_space<hbm>>
    %dma_start3A_88 = tpu.memref_squeeze %dma_start3A_87 : memref<1x4096xf32, #tpu.memory_space<hbm>> -> memref<4096xf32, #tpu.memory_space<hbm>>
    %dma_start3A_89 = arith.constant 8192 : i32
    %dma_start3A_90 = tpu.memref_slice %arg5[%dma_start3A_89] : memref<32768xf32, #tpu.memory_space<vmem>> -> memref<4096xf32, #tpu.memory_space<vmem>>
    %dma_start3A_91 = arith.constant 0 : i32
    %dma_start3A_92 = tpu.memref_slice %arg2[%add3A_83, %dma_start3A_91] : memref<32x4096xf32, #tpu.memory_space<hbm>> -> memref<1x4096xf32, #tpu.memory_space<hbm>>
    %dma_start3A_93 = tpu.memref_squeeze %dma_start3A_92 : memref<1x4096xf32, #tpu.memory_space<hbm>> -> memref<4096xf32, #tpu.memory_space<hbm>>
    tpu.enqueue_dma source(%dma_start3A_93 : memref<4096xf32, #tpu.memory_space<hbm>>) target(%dma_start3A_90 : memref<4096xf32, #tpu.memory_space<vmem>>) target_semaphore(%arg10 : memref<!tpu.dma_semaphore, #tpu.memory_space<semaphore_mem>>)
    %add3A_94 = arith.constant 3 : i32
    %add3A_95 = arith.addi %mul3A_32, %add3A_94 : i32
    %dma_start3A_96 = arith.constant 12288 : i32
    %dma_start3A_97 = tpu.memref_slice %arg5[%dma_start3A_96] : memref<32768xf32, #tpu.memory_space<vmem>> -> memref<4096xf32, #tpu.memory_space<vmem>>
    %dma_start3A_98 = arith.constant 0 : i32
    %dma_start3A_99 = tpu.memref_slice %arg2[%add3A_95, %dma_start3A_98] : memref<32x4096xf32, #tpu.memory_space<hbm>> -> memref<1x4096xf32, #tpu.memory_space<hbm>>
    %dma_start3A_100 = tpu.memref_squeeze %dma_start3A_99 : memref<1x4096xf32, #tpu.memory_space<hbm>> -> memref<4096xf32, #tpu.memory_space<hbm>>
    %dma_start3A_101 = arith.constant 12288 : i32
    %dma_start3A_102 = tpu.memref_slice %arg5[%dma_start3A_101] : memref<32768xf32, #tpu.memory_space<vmem>> -> memref<4096xf32, #tpu.memory_space<vmem>>
    %dma_start3A_103 = arith.constant 0 : i32
    %dma_start3A_104 = tpu.memref_slice %arg2[%add3A_95, %dma_start3A_103] : memref<32x4096xf32, #tpu.memory_space<hbm>> -> memref<1x4096xf32, #tpu.memory_space<hbm>>
    %dma_start3A_105 = tpu.memref_squeeze %dma_start3A_104 : memref<1x4096xf32, #tpu.memory_space<hbm>> -> memref<4096xf32, #tpu.memory_space<hbm>>
    tpu.enqueue_dma source(%dma_start3A_105 : memref<4096xf32, #tpu.memory_space<hbm>>) target(%dma_start3A_102 : memref<4096xf32, #tpu.memory_space<vmem>>) target_semaphore(%arg10 : memref<!tpu.dma_semaphore, #tpu.memory_space<semaphore_mem>>)
    %add3A_106 = arith.constant 4 : i32
    %add3A_107 = arith.addi %mul3A_32, %add3A_106 : i32
    %dma_start3A_108 = arith.constant 16384 : i32
    %dma_start3A_109 = tpu.memref_slice %arg5[%dma_start3A_108] : memref<32768xf32, #tpu.memory_space<vmem>> -> memref<4096xf32, #tpu.memory_space<vmem>>
    %dma_start3A_110 = arith.constant 0 : i32
    %dma_start3A_111 = tpu.memref_slice %arg2[%add3A_107, %dma_start3A_110] : memref<32x4096xf32, #tpu.memory_space<hbm>> -> memref<1x4096xf32, #tpu.memory_space<hbm>>
    %dma_start3A_112 = tpu.memref_squeeze %dma_start3A_111 : memref<1x4096xf32, #tpu.memory_space<hbm>> -> memref<4096xf32, #tpu.memory_space<hbm>>
    %dma_start3A_113 = arith.constant 16384 : i32
    %dma_start3A_114 = tpu.memref_slice %arg5[%dma_start3A_113] : memref<32768xf32, #tpu.memory_space<vmem>> -> memref<4096xf32, #tpu.memory_space<vmem>>
    %dma_start3A_115 = arith.constant 0 : i32
    %dma_start3A_116 = tpu.memref_slice %arg2[%add3A_107, %dma_start3A_115] : memref<32x4096xf32, #tpu.memory_space<hbm>> -> memref<1x4096xf32, #tpu.memory_space<hbm>>
    %dma_start3A_117 = tpu.memref_squeeze %dma_start3A_116 : memref<1x4096xf32, #tpu.memory_space<hbm>> -> memref<4096xf32, #tpu.memory_space<hbm>>
    tpu.enqueue_dma source(%dma_start3A_117 : memref<4096xf32, #tpu.memory_space<hbm>>) target(%dma_start3A_114 : memref<4096xf32, #tpu.memory_space<vmem>>) target_semaphore(%arg10 : memref<!tpu.dma_semaphore, #tpu.memory_space<semaphore_mem>>)
    %add3A_118 = arith.constant 5 : i32
    %add3A_119 = arith.addi %mul3A_32, %add3A_118 : i32
    %dma_start3A_120 = arith.constant 20480 : i32
    %dma_start3A_121 = tpu.memref_slice %arg5[%dma_start3A_120] : memref<32768xf32, #tpu.memory_space<vmem>> -> memref<4096xf32, #tpu.memory_space<vmem>>
    %dma_start3A_122 = arith.constant 0 : i32
    %dma_start3A_123 = tpu.memref_slice %arg2[%add3A_119, %dma_start3A_122] : memref<32x4096xf32, #tpu.memory_space<hbm>> -> memref<1x4096xf32, #tpu.memory_space<hbm>>
    %dma_start3A_124 = tpu.memref_squeeze %dma_start3A_123 : memref<1x4096xf32, #tpu.memory_space<hbm>> -> memref<4096xf32, #tpu.memory_space<hbm>>
    %dma_start3A_125 = arith.constant 20480 : i32
    %dma_start3A_126 = tpu.memref_slice %arg5[%dma_start3A_125] : memref<32768xf32, #tpu.memory_space<vmem>> -> memref<4096xf32, #tpu.memory_space<vmem>>
    %dma_start3A_127 = arith.constant 0 : i32
    %dma_start3A_128 = tpu.memref_slice %arg2[%add3A_119, %dma_start3A_127] : memref<32x4096xf32, #tpu.memory_space<hbm>> -> memref<1x4096xf32, #tpu.memory_space<hbm>>
    %dma_start3A_129 = tpu.memref_squeeze %dma_start3A_128 : memref<1x4096xf32, #tpu.memory_space<hbm>> -> memref<4096xf32, #tpu.memory_space<hbm>>
    tpu.enqueue_dma source(%dma_start3A_129 : memref<4096xf32, #tpu.memory_space<hbm>>) target(%dma_start3A_126 : memref<4096xf32, #tpu.memory_space<vmem>>) target_semaphore(%arg10 : memref<!tpu.dma_semaphore, #tpu.memory_space<semaphore_mem>>)
    %add3A_130 = arith.constant 6 : i32
    %add3A_131 = arith.addi %mul3A_32, %add3A_130 : i32
    %dma_start3A_132 = arith.constant 24576 : i32
    %dma_start3A_133 = tpu.memref_slice %arg5[%dma_start3A_132] : memref<32768xf32, #tpu.memory_space<vmem>> -> memref<4096xf32, #tpu.memory_space<vmem>>
    %dma_start3A_134 = arith.constant 0 : i32
    %dma_start3A_135 = tpu.memref_slice %arg2[%add3A_131, %dma_start3A_134] : memref<32x4096xf32, #tpu.memory_space<hbm>> -> memref<1x4096xf32, #tpu.memory_space<hbm>>
    %dma_start3A_136 = tpu.memref_squeeze %dma_start3A_135 : memref<1x4096xf32, #tpu.memory_space<hbm>> -> memref<4096xf32, #tpu.memory_space<hbm>>
    %dma_start3A_137 = arith.constant 24576 : i32
    %dma_start3A_138 = tpu.memref_slice %arg5[%dma_start3A_137] : memref<32768xf32, #tpu.memory_space<vmem>> -> memref<4096xf32, #tpu.memory_space<vmem>>
    %dma_start3A_139 = arith.constant 0 : i32
    %dma_start3A_140 = tpu.memref_slice %arg2[%add3A_131, %dma_start3A_139] : memref<32x4096xf32, #tpu.memory_space<hbm>> -> memref<1x4096xf32, #tpu.memory_space<hbm>>
    %dma_start3A_141 = tpu.memref_squeeze %dma_start3A_140 : memref<1x4096xf32, #tpu.memory_space<hbm>> -> memref<4096xf32, #tpu.memory_space<hbm>>
    tpu.enqueue_dma source(%dma_start3A_141 : memref<4096xf32, #tpu.memory_space<hbm>>) target(%dma_start3A_138 : memref<4096xf32, #tpu.memory_space<vmem>>) target_semaphore(%arg10 : memref<!tpu.dma_semaphore, #tpu.memory_space<semaphore_mem>>)
    %add3A_142 = arith.constant 7 : i32
    %add3A_143 = arith.addi %mul3A_32, %add3A_142 : i32
    %dma_start3A_144 = arith.constant 28672 : i32
    %dma_start3A_145 = tpu.memref_slice %arg5[%dma_start3A_144] : memref<32768xf32, #tpu.memory_space<vmem>> -> memref<4096xf32, #tpu.memory_space<vmem>>
    %dma_start3A_146 = arith.constant 0 : i32
    %dma_start3A_147 = tpu.memref_slice %arg2[%add3A_143, %dma_start3A_146] : memref<32x4096xf32, #tpu.memory_space<hbm>> -> memref<1x4096xf32, #tpu.memory_space<hbm>>
    %dma_start3A_148 = tpu.memref_squeeze %dma_start3A_147 : memref<1x4096xf32, #tpu.memory_space<hbm>> -> memref<4096xf32, #tpu.memory_space<hbm>>
    %dma_start3A_149 = arith.constant 28672 : i32
    %dma_start3A_150 = tpu.memref_slice %arg5[%dma_start3A_149] : memref<32768xf32, #tpu.memory_space<vmem>> -> memref<4096xf32, #tpu.memory_space<vmem>>
    %dma_start3A_151 = arith.constant 0 : i32
    %dma_start3A_152 = tpu.memref_slice %arg2[%add3A_143, %dma_start3A_151] : memref<32x4096xf32, #tpu.memory_space<hbm>> -> memref<1x4096xf32, #tpu.memory_space<hbm>>
    %dma_start3A_153 = tpu.memref_squeeze %dma_start3A_152 : memref<1x4096xf32, #tpu.memory_space<hbm>> -> memref<4096xf32, #tpu.memory_space<hbm>>
    tpu.enqueue_dma source(%dma_start3A_153 : memref<4096xf32, #tpu.memory_space<hbm>>) target(%dma_start3A_150 : memref<4096xf32, #tpu.memory_space<vmem>>) target_semaphore(%arg10 : memref<!tpu.dma_semaphore, #tpu.memory_space<semaphore_mem>>)
    %dma_wait3A = arith.constant 0 : i32
    %dma_wait3A_154 = tpu.memref_slice %arg5[%dma_wait3A] : memref<32768xf32, #tpu.memory_space<vmem>> -> memref<4096xf32, #tpu.memory_space<vmem>>
    %dma_wait3A_155 = arith.constant 0 : i32
    %dma_wait3A_156 = tpu.memref_slice %arg2[%add3A_59, %dma_wait3A_155] : memref<32x4096xf32, #tpu.memory_space<hbm>> -> memref<1x4096xf32, #tpu.memory_space<hbm>>
    %dma_wait3A_157 = tpu.memref_squeeze %dma_wait3A_156 : memref<1x4096xf32, #tpu.memory_space<hbm>> -> memref<4096xf32, #tpu.memory_space<hbm>>
    %dma_wait3A_158 = arith.constant 0 : i32
    %dma_wait3A_159 = tpu.memref_slice %arg5[%dma_wait3A_158] : memref<32768xf32, #tpu.memory_space<vmem>> -> memref<4096xf32, #tpu.memory_space<vmem>>
    %dma_wait3A_160 = arith.constant 0 : i32
    %dma_wait3A_161 = tpu.memref_slice %arg2[%add3A_59, %dma_wait3A_160] : memref<32x4096xf32, #tpu.memory_space<hbm>> -> memref<1x4096xf32, #tpu.memory_space<hbm>>
    %dma_wait3A_162 = tpu.memref_squeeze %dma_wait3A_161 : memref<1x4096xf32, #tpu.memory_space<hbm>> -> memref<4096xf32, #tpu.memory_space<hbm>>
    tpu.wait_dma2 semaphore(%arg10 : memref<!tpu.dma_semaphore, #tpu.memory_space<semaphore_mem>>) src(%dma_wait3A_162 : memref<4096xf32, #tpu.memory_space<hbm>>) dst(%dma_wait3A_159 : memref<4096xf32, #tpu.memory_space<vmem>>)
    %dma_wait3A_163 = arith.constant 4096 : i32
    %dma_wait3A_164 = tpu.memref_slice %arg5[%dma_wait3A_163] : memref<32768xf32, #tpu.memory_space<vmem>> -> memref<4096xf32, #tpu.memory_space<vmem>>
    %dma_wait3A_165 = arith.constant 0 : i32
    %dma_wait3A_166 = tpu.memref_slice %arg2[%add3A_71, %dma_wait3A_165] : memref<32x4096xf32, #tpu.memory_space<hbm>> -> memref<1x4096xf32, #tpu.memory_space<hbm>>
    %dma_wait3A_167 = tpu.memref_squeeze %dma_wait3A_166 : memref<1x4096xf32, #tpu.memory_space<hbm>> -> memref<4096xf32, #tpu.memory_space<hbm>>
    %dma_wait3A_168 = arith.constant 4096 : i32
    %dma_wait3A_169 = tpu.memref_slice %arg5[%dma_wait3A_168] : memref<32768xf32, #tpu.memory_space<vmem>> -> memref<4096xf32, #tpu.memory_space<vmem>>
    %dma_wait3A_170 = arith.constant 0 : i32
    %dma_wait3A_171 = tpu.memref_slice %arg2[%add3A_71, %dma_wait3A_170] : memref<32x4096xf32, #tpu.memory_space<hbm>> -> memref<1x4096xf32, #tpu.memory_space<hbm>>
    %dma_wait3A_172 = tpu.memref_squeeze %dma_wait3A_171 : memref<1x4096xf32, #tpu.memory_space<hbm>> -> memref<4096xf32, #tpu.memory_space<hbm>>
    tpu.wait_dma2 semaphore(%arg10 : memref<!tpu.dma_semaphore, #tpu.memory_space<semaphore_mem>>) src(%dma_wait3A_172 : memref<4096xf32, #tpu.memory_space<hbm>>) dst(%dma_wait3A_169 : memref<4096xf32, #tpu.memory_space<vmem>>)
    %dma_wait3A_173 = arith.constant 8192 : i32
    %dma_wait3A_174 = tpu.memref_slice %arg5[%dma_wait3A_173] : memref<32768xf32, #tpu.memory_space<vmem>> -> memref<4096xf32, #tpu.memory_space<vmem>>
    %dma_wait3A_175 = arith.constant 0 : i32
    %dma_wait3A_176 = tpu.memref_slice %arg2[%add3A_83, %dma_wait3A_175] : memref<32x4096xf32, #tpu.memory_space<hbm>> -> memref<1x4096xf32, #tpu.memory_space<hbm>>
    %dma_wait3A_177 = tpu.memref_squeeze %dma_wait3A_176 : memref<1x4096xf32, #tpu.memory_space<hbm>> -> memref<4096xf32, #tpu.memory_space<hbm>>
    %dma_wait3A_178 = arith.constant 8192 : i32
    %dma_wait3A_179 = tpu.memref_slice %arg5[%dma_wait3A_178] : memref<32768xf32, #tpu.memory_space<vmem>> -> memref<4096xf32, #tpu.memory_space<vmem>>
    %dma_wait3A_180 = arith.constant 0 : i32
    %dma_wait3A_181 = tpu.memref_slice %arg2[%add3A_83, %dma_wait3A_180] : memref<32x4096xf32, #tpu.memory_space<hbm>> -> memref<1x4096xf32, #tpu.memory_space<hbm>>
    %dma_wait3A_182 = tpu.memref_squeeze %dma_wait3A_181 : memref<1x4096xf32, #tpu.memory_space<hbm>> -> memref<4096xf32, #tpu.memory_space<hbm>>
    tpu.wait_dma2 semaphore(%arg10 : memref<!tpu.dma_semaphore, #tpu.memory_space<semaphore_mem>>) src(%dma_wait3A_182 : memref<4096xf32, #tpu.memory_space<hbm>>) dst(%dma_wait3A_179 : memref<4096xf32, #tpu.memory_space<vmem>>)
    %dma_wait3A_183 = arith.constant 12288 : i32
    %dma_wait3A_184 = tpu.memref_slice %arg5[%dma_wait3A_183] : memref<32768xf32, #tpu.memory_space<vmem>> -> memref<4096xf32, #tpu.memory_space<vmem>>
    %dma_wait3A_185 = arith.constant 0 : i32
    %dma_wait3A_186 = tpu.memref_slice %arg2[%add3A_95, %dma_wait3A_185] : memref<32x4096xf32, #tpu.memory_space<hbm>> -> memref<1x4096xf32, #tpu.memory_space<hbm>>
    %dma_wait3A_187 = tpu.memref_squeeze %dma_wait3A_186 : memref<1x4096xf32, #tpu.memory_space<hbm>> -> memref<4096xf32, #tpu.memory_space<hbm>>
    %dma_wait3A_188 = arith.constant 12288 : i32
    %dma_wait3A_189 = tpu.memref_slice %arg5[%dma_wait3A_188] : memref<32768xf32, #tpu.memory_space<vmem>> -> memref<4096xf32, #tpu.memory_space<vmem>>
    %dma_wait3A_190 = arith.constant 0 : i32
    %dma_wait3A_191 = tpu.memref_slice %arg2[%add3A_95, %dma_wait3A_190] : memref<32x4096xf32, #tpu.memory_space<hbm>> -> memref<1x4096xf32, #tpu.memory_space<hbm>>
    %dma_wait3A_192 = tpu.memref_squeeze %dma_wait3A_191 : memref<1x4096xf32, #tpu.memory_space<hbm>> -> memref<4096xf32, #tpu.memory_space<hbm>>
    tpu.wait_dma2 semaphore(%arg10 : memref<!tpu.dma_semaphore, #tpu.memory_space<semaphore_mem>>) src(%dma_wait3A_192 : memref<4096xf32, #tpu.memory_space<hbm>>) dst(%dma_wait3A_189 : memref<4096xf32, #tpu.memory_space<vmem>>)
    %dma_wait3A_193 = arith.constant 16384 : i32
    %dma_wait3A_194 = tpu.memref_slice %arg5[%dma_wait3A_193] : memref<32768xf32, #tpu.memory_space<vmem>> -> memref<4096xf32, #tpu.memory_space<vmem>>
    %dma_wait3A_195 = arith.constant 0 : i32
    %dma_wait3A_196 = tpu.memref_slice %arg2[%add3A_107, %dma_wait3A_195] : memref<32x4096xf32, #tpu.memory_space<hbm>> -> memref<1x4096xf32, #tpu.memory_space<hbm>>
    %dma_wait3A_197 = tpu.memref_squeeze %dma_wait3A_196 : memref<1x4096xf32, #tpu.memory_space<hbm>> -> memref<4096xf32, #tpu.memory_space<hbm>>
    %dma_wait3A_198 = arith.constant 16384 : i32
    %dma_wait3A_199 = tpu.memref_slice %arg5[%dma_wait3A_198] : memref<32768xf32, #tpu.memory_space<vmem>> -> memref<4096xf32, #tpu.memory_space<vmem>>
    %dma_wait3A_200 = arith.constant 0 : i32
    %dma_wait3A_201 = tpu.memref_slice %arg2[%add3A_107, %dma_wait3A_200] : memref<32x4096xf32, #tpu.memory_space<hbm>> -> memref<1x4096xf32, #tpu.memory_space<hbm>>
    %dma_wait3A_202 = tpu.memref_squeeze %dma_wait3A_201 : memref<1x4096xf32, #tpu.memory_space<hbm>> -> memref<4096xf32, #tpu.memory_space<hbm>>
    tpu.wait_dma2 semaphore(%arg10 : memref<!tpu.dma_semaphore, #tpu.memory_space<semaphore_mem>>) src(%dma_wait3A_202 : memref<4096xf32, #tpu.memory_space<hbm>>) dst(%dma_wait3A_199 : memref<4096xf32, #tpu.memory_space<vmem>>)
    %dma_wait3A_203 = arith.constant 20480 : i32
    %dma_wait3A_204 = tpu.memref_slice %arg5[%dma_wait3A_203] : memref<32768xf32, #tpu.memory_space<vmem>> -> memref<4096xf32, #tpu.memory_space<vmem>>
    %dma_wait3A_205 = arith.constant 0 : i32
    %dma_wait3A_206 = tpu.memref_slice %arg2[%add3A_119, %dma_wait3A_205] : memref<32x4096xf32, #tpu.memory_space<hbm>> -> memref<1x4096xf32, #tpu.memory_space<hbm>>
    %dma_wait3A_207 = tpu.memref_squeeze %dma_wait3A_206 : memref<1x4096xf32, #tpu.memory_space<hbm>> -> memref<4096xf32, #tpu.memory_space<hbm>>
    %dma_wait3A_208 = arith.constant 20480 : i32
    %dma_wait3A_209 = tpu.memref_slice %arg5[%dma_wait3A_208] : memref<32768xf32, #tpu.memory_space<vmem>> -> memref<4096xf32, #tpu.memory_space<vmem>>
    %dma_wait3A_210 = arith.constant 0 : i32
    %dma_wait3A_211 = tpu.memref_slice %arg2[%add3A_119, %dma_wait3A_210] : memref<32x4096xf32, #tpu.memory_space<hbm>> -> memref<1x4096xf32, #tpu.memory_space<hbm>>
    %dma_wait3A_212 = tpu.memref_squeeze %dma_wait3A_211 : memref<1x4096xf32, #tpu.memory_space<hbm>> -> memref<4096xf32, #tpu.memory_space<hbm>>
    tpu.wait_dma2 semaphore(%arg10 : memref<!tpu.dma_semaphore, #tpu.memory_space<semaphore_mem>>) src(%dma_wait3A_212 : memref<4096xf32, #tpu.memory_space<hbm>>) dst(%dma_wait3A_209 : memref<4096xf32, #tpu.memory_space<vmem>>)
    %dma_wait3A_213 = arith.constant 24576 : i32
    %dma_wait3A_214 = tpu.memref_slice %arg5[%dma_wait3A_213] : memref<32768xf32, #tpu.memory_space<vmem>> -> memref<4096xf32, #tpu.memory_space<vmem>>
    %dma_wait3A_215 = arith.constant 0 : i32
    %dma_wait3A_216 = tpu.memref_slice %arg2[%add3A_131, %dma_wait3A_215] : memref<32x4096xf32, #tpu.memory_space<hbm>> -> memref<1x4096xf32, #tpu.memory_space<hbm>>
    %dma_wait3A_217 = tpu.memref_squeeze %dma_wait3A_216 : memref<1x4096xf32, #tpu.memory_space<hbm>> -> memref<4096xf32, #tpu.memory_space<hbm>>
    %dma_wait3A_218 = arith.constant 24576 : i32
    %dma_wait3A_219 = tpu.memref_slice %arg5[%dma_wait3A_218] : memref<32768xf32, #tpu.memory_space<vmem>> -> memref<4096xf32, #tpu.memory_space<vmem>>
    %dma_wait3A_220 = arith.constant 0 : i32
    %dma_wait3A_221 = tpu.memref_slice %arg2[%add3A_131, %dma_wait3A_220] : memref<32x4096xf32, #tpu.memory_space<hbm>> -> memref<1x4096xf32, #tpu.memory_space<hbm>>
    %dma_wait3A_222 = tpu.memref_squeeze %dma_wait3A_221 : memref<1x4096xf32, #tpu.memory_space<hbm>> -> memref<4096xf32, #tpu.memory_space<hbm>>
    tpu.wait_dma2 semaphore(%arg10 : memref<!tpu.dma_semaphore, #tpu.memory_space<semaphore_mem>>) src(%dma_wait3A_222 : memref<4096xf32, #tpu.memory_space<hbm>>) dst(%dma_wait3A_219 : memref<4096xf32, #tpu.memory_space<vmem>>)
    %dma_wait3A_223 = arith.constant 28672 : i32
    %dma_wait3A_224 = tpu.memref_slice %arg5[%dma_wait3A_223] : memref<32768xf32, #tpu.memory_space<vmem>> -> memref<4096xf32, #tpu.memory_space<vmem>>
    %dma_wait3A_225 = arith.constant 0 : i32
    %dma_wait3A_226 = tpu.memref_slice %arg2[%add3A_143, %dma_wait3A_225] : memref<32x4096xf32, #tpu.memory_space<hbm>> -> memref<1x4096xf32, #tpu.memory_space<hbm>>
    %dma_wait3A_227 = tpu.memref_squeeze %dma_wait3A_226 : memref<1x4096xf32, #tpu.memory_space<hbm>> -> memref<4096xf32, #tpu.memory_space<hbm>>
    %dma_wait3A_228 = arith.constant 28672 : i32
    %dma_wait3A_229 = tpu.memref_slice %arg5[%dma_wait3A_228] : memref<32768xf32, #tpu.memory_space<vmem>> -> memref<4096xf32, #tpu.memory_space<vmem>>
    %dma_wait3A_230 = arith.constant 0 : i32
    %dma_wait3A_231 = tpu.memref_slice %arg2[%add3A_143, %dma_wait3A_230] : memref<32x4096xf32, #tpu.memory_space<hbm>> -> memref<1x4096xf32, #tpu.memory_space<hbm>>
    %dma_wait3A_232 = tpu.memref_squeeze %dma_wait3A_231 : memref<1x4096xf32, #tpu.memory_space<hbm>> -> memref<4096xf32, #tpu.memory_space<hbm>>
    tpu.wait_dma2 semaphore(%arg10 : memref<!tpu.dma_semaphore, #tpu.memory_space<semaphore_mem>>) src(%dma_wait3A_232 : memref<4096xf32, #tpu.memory_space<hbm>>) dst(%dma_wait3A_229 : memref<4096xf32, #tpu.memory_space<vmem>>)
    %scan3A = arith.constant 0 : i32
    %scan3A_233 = arith.constant 16 : i32
    %scan3A_234 = arith.addi %scan3A, %scan3A_233 : i32
    %scan3A_235 = arith.constant 1 : i32
    scf.for %scan3A_267 = %scan3A to %scan3A_234 step %scan3A_235  : i32 {
      %mul3A_268 = arith.constant 2 : i32
      %mul3A_269 = arith.muli %mul3A_268, %scan3A_267 : i32
      %mul3A_270 = arith.constant 4 : i32
      %mul3A_271 = arith.muli %mul3A_269, %mul3A_270 : i32
      %add3A_272 = arith.addi %mul3A_34, %mul3A_271 : i32
      %dma_wait3A_273 = arith.constant 0 : i32
      %dma_wait3A_274 = arith.constant 0 : i32
      %dma_wait3A_275 = tpu.memref_slice %arg6[%dma_wait3A_273, %dma_wait3A_274] : memref<8x1024xi32, #tpu.memory_space<vmem>> -> memref<4x1024xi32, #tpu.memory_space<vmem>>
      %dma_wait3A_276 = arith.constant 0 : i32
      %dma_wait3A_277 = tpu.memref_slice %arg3[%add3A_272, %dma_wait3A_276] : memref<1024x1024xi32, #tpu.memory_space<hbm>> -> memref<4x1024xi32, #tpu.memory_space<hbm>>
      %dma_wait3A_278 = arith.constant 0 : i32
      %dma_wait3A_279 = arith.constant 0 : i32
      %dma_wait3A_280 = tpu.memref_slice %arg6[%dma_wait3A_278, %dma_wait3A_279] : memref<8x1024xi32, #tpu.memory_space<vmem>> -> memref<4x1024xi32, #tpu.memory_space<vmem>>
      %dma_wait3A_281 = arith.constant 0 : i32
      %dma_wait3A_282 = tpu.memref_slice %arg3[%add3A_272, %dma_wait3A_281] : memref<1024x1024xi32, #tpu.memory_space<hbm>> -> memref<4x1024xi32, #tpu.memory_space<hbm>>
      tpu.wait_dma2 semaphore(%arg8 : memref<!tpu.dma_semaphore, #tpu.memory_space<semaphore_mem>>) src(%dma_wait3A_282 : memref<4x1024xi32, #tpu.memory_space<hbm>>) dst(%dma_wait3A_280 : memref<4x1024xi32, #tpu.memory_space<vmem>>)
      %gt3A = arith.constant 0 : i32
      %gt3A_283 = arith.cmpi sgt, %scan3A_267, %gt3A : i32
      %convert_element_type3A = arith.extui %gt3A_283 : i1 to i32
      %cond3A = arith.constant 0 : i32
      %cond3A_284 = arith.cmpi ne, %convert_element_type3A, %cond3A : i32
      scf.if %cond3A_284 {
        %dma_wait3A_598 = arith.constant 0 : i32
        %dma_wait3A_599 = arith.constant 0 : i32
        %dma_wait3A_600 = arith.constant 0 : i32
        %dma_wait3A_601 = tpu.memref_slice %arg7[%dma_wait3A_599, %dma_wait3A_600] : memref<64x1024xf32, #tpu.memory_space<vmem>> -> memref<32x1024xf32, #tpu.memory_space<vmem>>
        %dma_wait3A_602 = arith.constant 0 : i32
        %dma_wait3A_603 = arith.constant 0 : i32
        %dma_wait3A_604 = tpu.memref_slice %arg4[%dma_wait3A_598, %dma_wait3A_602, %dma_wait3A_603] : memref<32x1024x1024xf32, #tpu.memory_space<hbm>> -> memref<1x32x1024xf32, #tpu.memory_space<hbm>>
        %dma_wait3A_605 = tpu.memref_squeeze %dma_wait3A_604 : memref<1x32x1024xf32, #tpu.memory_space<hbm>> -> memref<32x1024xf32, #tpu.memory_space<hbm>>
        %dma_wait3A_606 = arith.constant 0 : i32
        %dma_wait3A_607 = arith.constant 0 : i32
        %dma_wait3A_608 = tpu.memref_slice %arg7[%dma_wait3A_606, %dma_wait3A_607] : memref<64x1024xf32, #tpu.memory_space<vmem>> -> memref<32x1024xf32, #tpu.memory_space<vmem>>
        %dma_wait3A_609 = arith.constant 0 : i32
        %dma_wait3A_610 = arith.constant 0 : i32
        %dma_wait3A_611 = tpu.memref_slice %arg4[%dma_wait3A_598, %dma_wait3A_609, %dma_wait3A_610] : memref<32x1024x1024xf32, #tpu.memory_space<hbm>> -> memref<1x32x1024xf32, #tpu.memory_space<hbm>>
        %dma_wait3A_612 = tpu.memref_squeeze %dma_wait3A_611 : memref<1x32x1024xf32, #tpu.memory_space<hbm>> -> memref<32x1024xf32, #tpu.memory_space<hbm>>
        tpu.wait_dma2 semaphore(%arg10 : memref<!tpu.dma_semaphore, #tpu.memory_space<semaphore_mem>>) src(%dma_wait3A_612 : memref<32x1024xf32, #tpu.memory_space<hbm>>) dst(%dma_wait3A_608 : memref<32x1024xf32, #tpu.memory_space<vmem>>)
      } else {
      }
      %parallel_loop3A = arith.constant 0 : i32
      %parallel_loop3A_285 = arith.constant 256 : i32
      %parallel_loop3A_286 = arith.constant 1 : i32
      scf.for %parallel_loop3A_598 = %parallel_loop3A to %parallel_loop3A_285 step %parallel_loop3A_286  : i32 {
        %parallel_loop3A_599 = arith.constant 64 : i32
        %parallel_loop3A_600 = arith.divsi %parallel_loop3A_598, %parallel_loop3A_599 : i32
        %parallel_loop3A_601 = arith.constant 0 : i32
        %parallel_loop3A_602 = arith.cmpi sgt, %parallel_loop3A_598, %parallel_loop3A_601 : i32
        %parallel_loop3A_603 = arith.extui %parallel_loop3A_602 : i1 to i32
        %parallel_loop3A_604 = arith.constant 0 : i32
        %parallel_loop3A_605 = arith.cmpi slt, %parallel_loop3A_598, %parallel_loop3A_604 : i32
        %parallel_loop3A_606 = arith.extui %parallel_loop3A_605 : i1 to i32
        %parallel_loop3A_607 = arith.subi %parallel_loop3A_603, %parallel_loop3A_606 : i32
        %parallel_loop3A_608 = arith.constant 0 : i32
        %parallel_loop3A_609 = arith.cmpi sgt, %parallel_loop3A_599, %parallel_loop3A_608 : i32
        %parallel_loop3A_610 = arith.extui %parallel_loop3A_609 : i1 to i32
        %parallel_loop3A_611 = arith.constant 0 : i32
        %parallel_loop3A_612 = arith.cmpi slt, %parallel_loop3A_599, %parallel_loop3A_611 : i32
        %parallel_loop3A_613 = arith.extui %parallel_loop3A_612 : i1 to i32
        %parallel_loop3A_614 = arith.subi %parallel_loop3A_610, %parallel_loop3A_613 : i32
        %parallel_loop3A_615 = arith.cmpi ne, %parallel_loop3A_607, %parallel_loop3A_614 : i32
        %parallel_loop3A_616 = arith.remsi %parallel_loop3A_598, %parallel_loop3A_599 : i32
        %parallel_loop3A_617 = arith.constant 0 : i32
        %parallel_loop3A_618 = arith.cmpi ne, %parallel_loop3A_616, %parallel_loop3A_617 : i32
        %parallel_loop3A_619 = arith.andi %parallel_loop3A_615, %parallel_loop3A_618 : i1
        %parallel_loop3A_620 = arith.constant 1 : i32
        %parallel_loop3A_621 = arith.subi %parallel_loop3A_600, %parallel_loop3A_620 : i32
        %parallel_loop3A_622 = arith.select %parallel_loop3A_619, %parallel_loop3A_621, %parallel_loop3A_600 : i32
        %parallel_loop3A_623 = arith.constant 64 : i32
        %parallel_loop3A_624 = arith.constant 0 : i32
        %parallel_loop3A_625 = arith.cmpi eq, %parallel_loop3A_623, %parallel_loop3A_624 : i32
        %parallel_loop3A_626 = arith.constant 1 : i32
        %parallel_loop3A_627 = arith.select %parallel_loop3A_625, %parallel_loop3A_626, %parallel_loop3A_623 : i32
        %parallel_loop3A_628 = arith.remsi %parallel_loop3A_598, %parallel_loop3A_627 : i32
        %parallel_loop3A_629 = arith.constant 0 : i32
        %parallel_loop3A_630 = arith.cmpi ne, %parallel_loop3A_628, %parallel_loop3A_629 : i32
        %parallel_loop3A_631 = arith.constant 0 : i32
        %parallel_loop3A_632 = arith.cmpi slt, %parallel_loop3A_628, %parallel_loop3A_631 : i32
        %parallel_loop3A_633 = arith.constant 0 : i32
        %parallel_loop3A_634 = arith.cmpi slt, %parallel_loop3A_627, %parallel_loop3A_633 : i32
        %parallel_loop3A_635 = arith.xori %parallel_loop3A_632, %parallel_loop3A_634 : i1
        %parallel_loop3A_636 = arith.andi %parallel_loop3A_635, %parallel_loop3A_630 : i1
        %parallel_loop3A_637 = arith.addi %parallel_loop3A_628, %parallel_loop3A_627 : i32
        %parallel_loop3A_638 = arith.select %parallel_loop3A_636, %parallel_loop3A_637, %parallel_loop3A_628 : i32
        %parallel_loop3A_639 = arith.constant 16 : i32
        %parallel_loop3A_640 = arith.muli %parallel_loop3A_638, %parallel_loop3A_639 : i32
        %parallel_loop3A_641 = arith.constant 0 : i32
        %parallel_loop3A_642 = arith.addi %parallel_loop3A_641, %parallel_loop3A_622 : i32
        %parallel_loop3A_643 = arith.index_cast %parallel_loop3A_642 : i32 to index
        %parallel_loop3A_644 = arith.index_cast %parallel_loop3A_640 : i32 to index
        %parallel_loop3A_645 = tpu.vector_load %arg6[%parallel_loop3A_643, %parallel_loop3A_644] {strides = array<i32>} : memref<8x1024xi32, #tpu.memory_space<vmem>>, vector<16xi32>,
        %parallel_loop3A_646 = arith.constant 0 : i32
        %parallel_loop3A_647 = vector.broadcast %parallel_loop3A_646 : i32 to vector<16xi32>
        %parallel_loop3A_648 = arith.addi %parallel_loop3A_645, %parallel_loop3A_647 : vector<16xi32>
        %parallel_loop3A_649 = tpu.vector_load_idx %arg5[%parallel_loop3A_648] : memref<32768xf32, #tpu.memory_space<vmem>>[vector<16xi32>], vector<16xf32>,
        %parallel_loop3A_650 = arith.constant 0 : i32
        %parallel_loop3A_651 = arith.addi %parallel_loop3A_650, %parallel_loop3A_622 : i32
        %parallel_loop3A_652 = arith.index_cast %parallel_loop3A_651 : i32 to index
        %parallel_loop3A_653 = arith.index_cast %parallel_loop3A_640 : i32 to index
        %parallel_loop3A_654 = tpu.vector_load %arg7[%parallel_loop3A_652, %parallel_loop3A_653] {strides = array<i32>} : memref<64x1024xf32, #tpu.memory_space<vmem>>, vector<16xf32>,
        tpu.vector_store %arg7[%parallel_loop3A_652, %parallel_loop3A_653], %parallel_loop3A_649 {strides = array<i32>} : memref<64x1024xf32, #tpu.memory_space<vmem>>, vector<16xf32>,
        %parallel_loop3A_655 = arith.constant 4096 : i32
        %parallel_loop3A_656 = vector.broadcast %parallel_loop3A_655 : i32 to vector<16xi32>
        %parallel_loop3A_657 = arith.addi %parallel_loop3A_645, %parallel_loop3A_656 : vector<16xi32>
        %parallel_loop3A_658 = tpu.vector_load_idx %arg5[%parallel_loop3A_657] : memref<32768xf32, #tpu.memory_space<vmem>>[vector<16xi32>], vector<16xf32>,
        %parallel_loop3A_659 = arith.constant 4 : i32
        %parallel_loop3A_660 = arith.addi %parallel_loop3A_659, %parallel_loop3A_622 : i32
        %parallel_loop3A_661 = arith.index_cast %parallel_loop3A_660 : i32 to index
        %parallel_loop3A_662 = arith.index_cast %parallel_loop3A_640 : i32 to index
        %parallel_loop3A_663 = tpu.vector_load %arg7[%parallel_loop3A_661, %parallel_loop3A_662] {strides = array<i32>} : memref<64x1024xf32, #tpu.memory_space<vmem>>, vector<16xf32>,
        tpu.vector_store %arg7[%parallel_loop3A_661, %parallel_loop3A_662], %parallel_loop3A_658 {strides = array<i32>} : memref<64x1024xf32, #tpu.memory_space<vmem>>, vector<16xf32>,
        %parallel_loop3A_664 = arith.constant 8192 : i32
        %parallel_loop3A_665 = vector.broadcast %parallel_loop3A_664 : i32 to vector<16xi32>
        %parallel_loop3A_666 = arith.addi %parallel_loop3A_645, %parallel_loop3A_665 : vector<16xi32>
        %parallel_loop3A_667 = tpu.vector_load_idx %arg5[%parallel_loop3A_666] : memref<32768xf32, #tpu.memory_space<vmem>>[vector<16xi32>], vector<16xf32>,
        %parallel_loop3A_668 = arith.constant 8 : i32
        %parallel_loop3A_669 = arith.addi %parallel_loop3A_668, %parallel_loop3A_622 : i32
        %parallel_loop3A_670 = arith.index_cast %parallel_loop3A_669 : i32 to index
        %parallel_loop3A_671 = arith.index_cast %parallel_loop3A_640 : i32 to index
        %parallel_loop3A_672 = tpu.vector_load %arg7[%parallel_loop3A_670, %parallel_loop3A_671] {strides = array<i32>} : memref<64x1024xf32, #tpu.memory_space<vmem>>, vector<16xf32>,
        tpu.vector_store %arg7[%parallel_loop3A_670, %parallel_loop3A_671], %parallel_loop3A_667 {strides = array<i32>} : memref<64x1024xf32, #tpu.memory_space<vmem>>, vector<16xf32>,
        %parallel_loop3A_673 = arith.constant 12288 : i32
        %parallel_loop3A_674 = vector.broadcast %parallel_loop3A_673 : i32 to vector<16xi32>
        %parallel_loop3A_675 = arith.addi %parallel_loop3A_645, %parallel_loop3A_674 : vector<16xi32>
        %parallel_loop3A_676 = tpu.vector_load_idx %arg5[%parallel_loop3A_675] : memref<32768xf32, #tpu.memory_space<vmem>>[vector<16xi32>], vector<16xf32>,
        %parallel_loop3A_677 = arith.constant 12 : i32
        %parallel_loop3A_678 = arith.addi %parallel_loop3A_677, %parallel_loop3A_622 : i32
        %parallel_loop3A_679 = arith.index_cast %parallel_loop3A_678 : i32 to index
        %parallel_loop3A_680 = arith.index_cast %parallel_loop3A_640 : i32 to index
        %parallel_loop3A_681 = tpu.vector_load %arg7[%parallel_loop3A_679, %parallel_loop3A_680] {strides = array<i32>} : memref<64x1024xf32, #tpu.memory_space<vmem>>, vector<16xf32>,
        tpu.vector_store %arg7[%parallel_loop3A_679, %parallel_loop3A_680], %parallel_loop3A_676 {strides = array<i32>} : memref<64x1024xf32, #tpu.memory_space<vmem>>, vector<16xf32>,
        %parallel_loop3A_682 = arith.constant 16384 : i32
        %parallel_loop3A_683 = vector.broadcast %parallel_loop3A_682 : i32 to vector<16xi32>
        %parallel_loop3A_684 = arith.addi %parallel_loop3A_645, %parallel_loop3A_683 : vector<16xi32>
        %parallel_loop3A_685 = tpu.vector_load_idx %arg5[%parallel_loop3A_684] : memref<32768xf32, #tpu.memory_space<vmem>>[vector<16xi32>], vector<16xf32>,
        %parallel_loop3A_686 = arith.constant 16 : i32
        %parallel_loop3A_687 = arith.addi %parallel_loop3A_686, %parallel_loop3A_622 : i32
        %parallel_loop3A_688 = arith.index_cast %parallel_loop3A_687 : i32 to index
        %parallel_loop3A_689 = arith.index_cast %parallel_loop3A_640 : i32 to index
        %parallel_loop3A_690 = tpu.vector_load %arg7[%parallel_loop3A_688, %parallel_loop3A_689] {strides = array<i32>} : memref<64x1024xf32, #tpu.memory_space<vmem>>, vector<16xf32>,
        tpu.vector_store %arg7[%parallel_loop3A_688, %parallel_loop3A_689], %parallel_loop3A_685 {strides = array<i32>} : memref<64x1024xf32, #tpu.memory_space<vmem>>, vector<16xf32>,
        %parallel_loop3A_691 = arith.constant 20480 : i32
        %parallel_loop3A_692 = vector.broadcast %parallel_loop3A_691 : i32 to vector<16xi32>
        %parallel_loop3A_693 = arith.addi %parallel_loop3A_645, %parallel_loop3A_692 : vector<16xi32>
        %parallel_loop3A_694 = tpu.vector_load_idx %arg5[%parallel_loop3A_693] : memref<32768xf32, #tpu.memory_space<vmem>>[vector<16xi32>], vector<16xf32>,
        %parallel_loop3A_695 = arith.constant 20 : i32
        %parallel_loop3A_696 = arith.addi %parallel_loop3A_695, %parallel_loop3A_622 : i32
        %parallel_loop3A_697 = arith.index_cast %parallel_loop3A_696 : i32 to index
        %parallel_loop3A_698 = arith.index_cast %parallel_loop3A_640 : i32 to index
        %parallel_loop3A_699 = tpu.vector_load %arg7[%parallel_loop3A_697, %parallel_loop3A_698] {strides = array<i32>} : memref<64x1024xf32, #tpu.memory_space<vmem>>, vector<16xf32>,
        tpu.vector_store %arg7[%parallel_loop3A_697, %parallel_loop3A_698], %parallel_loop3A_694 {strides = array<i32>} : memref<64x1024xf32, #tpu.memory_space<vmem>>, vector<16xf32>,
        %parallel_loop3A_700 = arith.constant 24576 : i32
        %parallel_loop3A_701 = vector.broadcast %parallel_loop3A_700 : i32 to vector<16xi32>
        %parallel_loop3A_702 = arith.addi %parallel_loop3A_645, %parallel_loop3A_701 : vector<16xi32>
        %parallel_loop3A_703 = tpu.vector_load_idx %arg5[%parallel_loop3A_702] : memref<32768xf32, #tpu.memory_space<vmem>>[vector<16xi32>], vector<16xf32>,
        %parallel_loop3A_704 = arith.constant 24 : i32
        %parallel_loop3A_705 = arith.addi %parallel_loop3A_704, %parallel_loop3A_622 : i32
        %parallel_loop3A_706 = arith.index_cast %parallel_loop3A_705 : i32 to index
        %parallel_loop3A_707 = arith.index_cast %parallel_loop3A_640 : i32 to index
        %parallel_loop3A_708 = tpu.vector_load %arg7[%parallel_loop3A_706, %parallel_loop3A_707] {strides = array<i32>} : memref<64x1024xf32, #tpu.memory_space<vmem>>, vector<16xf32>,
        tpu.vector_store %arg7[%parallel_loop3A_706, %parallel_loop3A_707], %parallel_loop3A_703 {strides = array<i32>} : memref<64x1024xf32, #tpu.memory_space<vmem>>, vector<16xf32>,
        %parallel_loop3A_709 = arith.constant 28672 : i32
        %parallel_loop3A_710 = vector.broadcast %parallel_loop3A_709 : i32 to vector<16xi32>
        %parallel_loop3A_711 = arith.addi %parallel_loop3A_645, %parallel_loop3A_710 : vector<16xi32>
        %parallel_loop3A_712 = tpu.vector_load_idx %arg5[%parallel_loop3A_711] : memref<32768xf32, #tpu.memory_space<vmem>>[vector<16xi32>], vector<16xf32>,
        %parallel_loop3A_713 = arith.constant 28 : i32
        %parallel_loop3A_714 = arith.addi %parallel_loop3A_713, %parallel_loop3A_622 : i32
        %parallel_loop3A_715 = arith.index_cast %parallel_loop3A_714 : i32 to index
        %parallel_loop3A_716 = arith.index_cast %parallel_loop3A_640 : i32 to index
        %parallel_loop3A_717 = tpu.vector_load %arg7[%parallel_loop3A_715, %parallel_loop3A_716] {strides = array<i32>} : memref<64x1024xf32, #tpu.memory_space<vmem>>, vector<16xf32>,
        tpu.vector_store %arg7[%parallel_loop3A_715, %parallel_loop3A_716], %parallel_loop3A_712 {strides = array<i32>} : memref<64x1024xf32, #tpu.memory_space<vmem>>, vector<16xf32>,
      } {sc.loop_unroll_factor = 4 : i64, sc.parallel_access}
      %add3A_287 = arith.constant 0 : i32
      %add3A_288 = arith.addi %mul3A_32, %add3A_287 : i32
      %mul3A_289 = arith.constant 4 : i32
      %mul3A_290 = arith.muli %mul3A_269, %mul3A_289 : i32
      %add3A_291 = arith.addi %mul3A_34, %mul3A_290 : i32
      %dma_start3A_292 = arith.constant 0 : i32
      %dma_start3A_293 = arith.constant 0 : i32
      %dma_start3A_294 = tpu.memref_slice %arg7[%dma_start3A_292, %dma_start3A_293] : memref<64x1024xf32, #tpu.memory_space<vmem>> -> memref<4x1024xf32, #tpu.memory_space<vmem>>
      %dma_start3A_295 = arith.constant 0 : i32
      %dma_start3A_296 = tpu.memref_slice %arg4[%add3A_288, %add3A_291, %dma_start3A_295] : memref<32x1024x1024xf32, #tpu.memory_space<hbm>> -> memref<1x4x1024xf32, #tpu.memory_space<hbm>>
      %dma_start3A_297 = tpu.memref_squeeze %dma_start3A_296 : memref<1x4x1024xf32, #tpu.memory_space<hbm>> -> memref<4x1024xf32, #tpu.memory_space<hbm>>
      %dma_start3A_298 = arith.constant 0 : i32
      %dma_start3A_299 = tpu.memref_slice %arg4[%add3A_288, %add3A_291, %dma_start3A_298] : memref<32x1024x1024xf32, #tpu.memory_space<hbm>> -> memref<1x4x1024xf32, #tpu.memory_space<hbm>>
      %dma_start3A_300 = tpu.memref_squeeze %dma_start3A_299 : memref<1x4x1024xf32, #tpu.memory_space<hbm>> -> memref<4x1024xf32, #tpu.memory_space<hbm>>
      %dma_start3A_301 = arith.constant 0 : i32
      %dma_start3A_302 = arith.constant 0 : i32
      %dma_start3A_303 = tpu.memref_slice %arg7[%dma_start3A_301, %dma_start3A_302] : memref<64x1024xf32, #tpu.memory_space<vmem>> -> memref<4x1024xf32, #tpu.memory_space<vmem>>
      tpu.enqueue_dma source(%dma_start3A_303 : memref<4x1024xf32, #tpu.memory_space<vmem>>) target(%dma_start3A_300 : memref<4x1024xf32, #tpu.memory_space<hbm>>) target_semaphore(%arg10 : memref<!tpu.dma_semaphore, #tpu.memory_space<semaphore_mem>>)
      %add3A_304 = arith.constant 1 : i32
      %add3A_305 = arith.addi %mul3A_32, %add3A_304 : i32
      %mul3A_306 = arith.constant 4 : i32
      %mul3A_307 = arith.muli %mul3A_269, %mul3A_306 : i32
      %add3A_308 = arith.addi %mul3A_34, %mul3A_307 : i32
      %dma_start3A_309 = arith.constant 4 : i32
      %dma_start3A_310 = arith.constant 0 : i32
      %dma_start3A_311 = tpu.memref_slice %arg7[%dma_start3A_309, %dma_start3A_310] : memref<64x1024xf32, #tpu.memory_space<vmem>> -> memref<4x1024xf32, #tpu.memory_space<vmem>>
      %dma_start3A_312 = arith.constant 0 : i32
      %dma_start3A_313 = tpu.memref_slice %arg4[%add3A_305, %add3A_308, %dma_start3A_312] : memref<32x1024x1024xf32, #tpu.memory_space<hbm>> -> memref<1x4x1024xf32, #tpu.memory_space<hbm>>
      %dma_start3A_314 = tpu.memref_squeeze %dma_start3A_313 : memref<1x4x1024xf32, #tpu.memory_space<hbm>> -> memref<4x1024xf32, #tpu.memory_space<hbm>>
      %dma_start3A_315 = arith.constant 0 : i32
      %dma_start3A_316 = tpu.memref_slice %arg4[%add3A_305, %add3A_308, %dma_start3A_315] : memref<32x1024x1024xf32, #tpu.memory_space<hbm>> -> memref<1x4x1024xf32, #tpu.memory_space<hbm>>
      %dma_start3A_317 = tpu.memref_squeeze %dma_start3A_316 : memref<1x4x1024xf32, #tpu.memory_space<hbm>> -> memref<4x1024xf32, #tpu.memory_space<hbm>>
      %dma_start3A_318 = arith.constant 4 : i32
      %dma_start3A_319 = arith.constant 0 : i32
      %dma_start3A_320 = tpu.memref_slice %arg7[%dma_start3A_318, %dma_start3A_319] : memref<64x1024xf32, #tpu.memory_space<vmem>> -> memref<4x1024xf32, #tpu.memory_space<vmem>>
      tpu.enqueue_dma source(%dma_start3A_320 : memref<4x1024xf32, #tpu.memory_space<vmem>>) target(%dma_start3A_317 : memref<4x1024xf32, #tpu.memory_space<hbm>>) target_semaphore(%arg10 : memref<!tpu.dma_semaphore, #tpu.memory_space<semaphore_mem>>)
      %add3A_321 = arith.constant 2 : i32
      %add3A_322 = arith.addi %mul3A_32, %add3A_321 : i32
      %mul3A_323 = arith.constant 4 : i32
      %mul3A_324 = arith.muli %mul3A_269, %mul3A_323 : i32
      %add3A_325 = arith.addi %mul3A_34, %mul3A_324 : i32
      %dma_start3A_326 = arith.constant 8 : i32
      %dma_start3A_327 = arith.constant 0 : i32
      %dma_start3A_328 = tpu.memref_slice %arg7[%dma_start3A_326, %dma_start3A_327] : memref<64x1024xf32, #tpu.memory_space<vmem>> -> memref<4x1024xf32, #tpu.memory_space<vmem>>
      %dma_start3A_329 = arith.constant 0 : i32
      %dma_start3A_330 = tpu.memref_slice %arg4[%add3A_322, %add3A_325, %dma_start3A_329] : memref<32x1024x1024xf32, #tpu.memory_space<hbm>> -> memref<1x4x1024xf32, #tpu.memory_space<hbm>>
      %dma_start3A_331 = tpu.memref_squeeze %dma_start3A_330 : memref<1x4x1024xf32, #tpu.memory_space<hbm>> -> memref<4x1024xf32, #tpu.memory_space<hbm>>
      %dma_start3A_332 = arith.constant 0 : i32
      %dma_start3A_333 = tpu.memref_slice %arg4[%add3A_322, %add3A_325, %dma_start3A_332] : memref<32x1024x1024xf32, #tpu.memory_space<hbm>> -> memref<1x4x1024xf32, #tpu.memory_space<hbm>>
      %dma_start3A_334 = tpu.memref_squeeze %dma_start3A_333 : memref<1x4x1024xf32, #tpu.memory_space<hbm>> -> memref<4x1024xf32, #tpu.memory_space<hbm>>
      %dma_start3A_335 = arith.constant 8 : i32
      %dma_start3A_336 = arith.constant 0 : i32
      %dma_start3A_337 = tpu.memref_slice %arg7[%dma_start3A_335, %dma_start3A_336] : memref<64x1024xf32, #tpu.memory_space<vmem>> -> memref<4x1024xf32, #tpu.memory_space<vmem>>
      tpu.enqueue_dma source(%dma_start3A_337 : memref<4x1024xf32, #tpu.memory_space<vmem>>) target(%dma_start3A_334 : memref<4x1024xf32, #tpu.memory_space<hbm>>) target_semaphore(%arg10 : memref<!tpu.dma_semaphore, #tpu.memory_space<semaphore_mem>>)
      %add3A_338 = arith.constant 3 : i32
      %add3A_339 = arith.addi %mul3A_32, %add3A_338 : i32
      %mul3A_340 = arith.constant 4 : i32
      %mul3A_341 = arith.muli %mul3A_269, %mul3A_340 : i32
      %add3A_342 = arith.addi %mul3A_34, %mul3A_341 : i32
      %dma_start3A_343 = arith.constant 12 : i32
      %dma_start3A_344 = arith.constant 0 : i32
      %dma_start3A_345 = tpu.memref_slice %arg7[%dma_start3A_343, %dma_start3A_344] : memref<64x1024xf32, #tpu.memory_space<vmem>> -> memref<4x1024xf32, #tpu.memory_space<vmem>>
      %dma_start3A_346 = arith.constant 0 : i32
      %dma_start3A_347 = tpu.memref_slice %arg4[%add3A_339, %add3A_342, %dma_start3A_346] : memref<32x1024x1024xf32, #tpu.memory_space<hbm>> -> memref<1x4x1024xf32, #tpu.memory_space<hbm>>
      %dma_start3A_348 = tpu.memref_squeeze %dma_start3A_347 : memref<1x4x1024xf32, #tpu.memory_space<hbm>> -> memref<4x1024xf32, #tpu.memory_space<hbm>>
      %dma_start3A_349 = arith.constant 0 : i32
      %dma_start3A_350 = tpu.memref_slice %arg4[%add3A_339, %add3A_342, %dma_start3A_349] : memref<32x1024x1024xf32, #tpu.memory_space<hbm>> -> memref<1x4x1024xf32, #tpu.memory_space<hbm>>
      %dma_start3A_351 = tpu.memref_squeeze %dma_start3A_350 : memref<1x4x1024xf32, #tpu.memory_space<hbm>> -> memref<4x1024xf32, #tpu.memory_space<hbm>>
      %dma_start3A_352 = arith.constant 12 : i32
      %dma_start3A_353 = arith.constant 0 : i32
      %dma_start3A_354 = tpu.memref_slice %arg7[%dma_start3A_352, %dma_start3A_353] : memref<64x1024xf32, #tpu.memory_space<vmem>> -> memref<4x1024xf32, #tpu.memory_space<vmem>>
      tpu.enqueue_dma source(%dma_start3A_354 : memref<4x1024xf32, #tpu.memory_space<vmem>>) target(%dma_start3A_351 : memref<4x1024xf32, #tpu.memory_space<hbm>>) target_semaphore(%arg10 : memref<!tpu.dma_semaphore, #tpu.memory_space<semaphore_mem>>)
      %add3A_355 = arith.constant 4 : i32
      %add3A_356 = arith.addi %mul3A_32, %add3A_355 : i32
      %mul3A_357 = arith.constant 4 : i32
      %mul3A_358 = arith.muli %mul3A_269, %mul3A_357 : i32
      %add3A_359 = arith.addi %mul3A_34, %mul3A_358 : i32
      %dma_start3A_360 = arith.constant 16 : i32
      %dma_start3A_361 = arith.constant 0 : i32
      %dma_start3A_362 = tpu.memref_slice %arg7[%dma_start3A_360, %dma_start3A_361] : memref<64x1024xf32, #tpu.memory_space<vmem>> -> memref<4x1024xf32, #tpu.memory_space<vmem>>
      %dma_start3A_363 = arith.constant 0 : i32
      %dma_start3A_364 = tpu.memref_slice %arg4[%add3A_356, %add3A_359, %dma_start3A_363] : memref<32x1024x1024xf32, #tpu.memory_space<hbm>> -> memref<1x4x1024xf32, #tpu.memory_space<hbm>>
      %dma_start3A_365 = tpu.memref_squeeze %dma_start3A_364 : memref<1x4x1024xf32, #tpu.memory_space<hbm>> -> memref<4x1024xf32, #tpu.memory_space<hbm>>
      %dma_start3A_366 = arith.constant 0 : i32
      %dma_start3A_367 = tpu.memref_slice %arg4[%add3A_356, %add3A_359, %dma_start3A_366] : memref<32x1024x1024xf32, #tpu.memory_space<hbm>> -> memref<1x4x1024xf32, #tpu.memory_space<hbm>>
      %dma_start3A_368 = tpu.memref_squeeze %dma_start3A_367 : memref<1x4x1024xf32, #tpu.memory_space<hbm>> -> memref<4x1024xf32, #tpu.memory_space<hbm>>
      %dma_start3A_369 = arith.constant 16 : i32
      %dma_start3A_370 = arith.constant 0 : i32
      %dma_start3A_371 = tpu.memref_slice %arg7[%dma_start3A_369, %dma_start3A_370] : memref<64x1024xf32, #tpu.memory_space<vmem>> -> memref<4x1024xf32, #tpu.memory_space<vmem>>
      tpu.enqueue_dma source(%dma_start3A_371 : memref<4x1024xf32, #tpu.memory_space<vmem>>) target(%dma_start3A_368 : memref<4x1024xf32, #tpu.memory_space<hbm>>) target_semaphore(%arg10 : memref<!tpu.dma_semaphore, #tpu.memory_space<semaphore_mem>>)
      %add3A_372 = arith.constant 5 : i32
      %add3A_373 = arith.addi %mul3A_32, %add3A_372 : i32
      %mul3A_374 = arith.constant 4 : i32
      %mul3A_375 = arith.muli %mul3A_269, %mul3A_374 : i32
      %add3A_376 = arith.addi %mul3A_34, %mul3A_375 : i32
      %dma_start3A_377 = arith.constant 20 : i32
      %dma_start3A_378 = arith.constant 0 : i32
      %dma_start3A_379 = tpu.memref_slice %arg7[%dma_start3A_377, %dma_start3A_378] : memref<64x1024xf32, #tpu.memory_space<vmem>> -> memref<4x1024xf32, #tpu.memory_space<vmem>>
      %dma_start3A_380 = arith.constant 0 : i32
      %dma_start3A_381 = tpu.memref_slice %arg4[%add3A_373, %add3A_376, %dma_start3A_380] : memref<32x1024x1024xf32, #tpu.memory_space<hbm>> -> memref<1x4x1024xf32, #tpu.memory_space<hbm>>
      %dma_start3A_382 = tpu.memref_squeeze %dma_start3A_381 : memref<1x4x1024xf32, #tpu.memory_space<hbm>> -> memref<4x1024xf32, #tpu.memory_space<hbm>>
      %dma_start3A_383 = arith.constant 0 : i32
      %dma_start3A_384 = tpu.memref_slice %arg4[%add3A_373, %add3A_376, %dma_start3A_383] : memref<32x1024x1024xf32, #tpu.memory_space<hbm>> -> memref<1x4x1024xf32, #tpu.memory_space<hbm>>
      %dma_start3A_385 = tpu.memref_squeeze %dma_start3A_384 : memref<1x4x1024xf32, #tpu.memory_space<hbm>> -> memref<4x1024xf32, #tpu.memory_space<hbm>>
      %dma_start3A_386 = arith.constant 20 : i32
      %dma_start3A_387 = arith.constant 0 : i32
      %dma_start3A_388 = tpu.memref_slice %arg7[%dma_start3A_386, %dma_start3A_387] : memref<64x1024xf32, #tpu.memory_space<vmem>> -> memref<4x1024xf32, #tpu.memory_space<vmem>>
      tpu.enqueue_dma source(%dma_start3A_388 : memref<4x1024xf32, #tpu.memory_space<vmem>>) target(%dma_start3A_385 : memref<4x1024xf32, #tpu.memory_space<hbm>>) target_semaphore(%arg10 : memref<!tpu.dma_semaphore, #tpu.memory_space<semaphore_mem>>)
      %add3A_389 = arith.constant 6 : i32
      %add3A_390 = arith.addi %mul3A_32, %add3A_389 : i32
      %mul3A_391 = arith.constant 4 : i32
      %mul3A_392 = arith.muli %mul3A_269, %mul3A_391 : i32
      %add3A_393 = arith.addi %mul3A_34, %mul3A_392 : i32
      %dma_start3A_394 = arith.constant 24 : i32
      %dma_start3A_395 = arith.constant 0 : i32
      %dma_start3A_396 = tpu.memref_slice %arg7[%dma_start3A_394, %dma_start3A_395] : memref<64x1024xf32, #tpu.memory_space<vmem>> -> memref<4x1024xf32, #tpu.memory_space<vmem>>
      %dma_start3A_397 = arith.constant 0 : i32
      %dma_start3A_398 = tpu.memref_slice %arg4[%add3A_390, %add3A_393, %dma_start3A_397] : memref<32x1024x1024xf32, #tpu.memory_space<hbm>> -> memref<1x4x1024xf32, #tpu.memory_space<hbm>>
      %dma_start3A_399 = tpu.memref_squeeze %dma_start3A_398 : memref<1x4x1024xf32, #tpu.memory_space<hbm>> -> memref<4x1024xf32, #tpu.memory_space<hbm>>
      %dma_start3A_400 = arith.constant 0 : i32
      %dma_start3A_401 = tpu.memref_slice %arg4[%add3A_390, %add3A_393, %dma_start3A_400] : memref<32x1024x1024xf32, #tpu.memory_space<hbm>> -> memref<1x4x1024xf32, #tpu.memory_space<hbm>>
      %dma_start3A_402 = tpu.memref_squeeze %dma_start3A_401 : memref<1x4x1024xf32, #tpu.memory_space<hbm>> -> memref<4x1024xf32, #tpu.memory_space<hbm>>
      %dma_start3A_403 = arith.constant 24 : i32
      %dma_start3A_404 = arith.constant 0 : i32
      %dma_start3A_405 = tpu.memref_slice %arg7[%dma_start3A_403, %dma_start3A_404] : memref<64x1024xf32, #tpu.memory_space<vmem>> -> memref<4x1024xf32, #tpu.memory_space<vmem>>
      tpu.enqueue_dma source(%dma_start3A_405 : memref<4x1024xf32, #tpu.memory_space<vmem>>) target(%dma_start3A_402 : memref<4x1024xf32, #tpu.memory_space<hbm>>) target_semaphore(%arg10 : memref<!tpu.dma_semaphore, #tpu.memory_space<semaphore_mem>>)
      %add3A_406 = arith.constant 7 : i32
      %add3A_407 = arith.addi %mul3A_32, %add3A_406 : i32
      %mul3A_408 = arith.constant 4 : i32
      %mul3A_409 = arith.muli %mul3A_269, %mul3A_408 : i32
      %add3A_410 = arith.addi %mul3A_34, %mul3A_409 : i32
      %dma_start3A_411 = arith.constant 28 : i32
      %dma_start3A_412 = arith.constant 0 : i32
      %dma_start3A_413 = tpu.memref_slice %arg7[%dma_start3A_411, %dma_start3A_412] : memref<64x1024xf32, #tpu.memory_space<vmem>> -> memref<4x1024xf32, #tpu.memory_space<vmem>>
      %dma_start3A_414 = arith.constant 0 : i32
      %dma_start3A_415 = tpu.memref_slice %arg4[%add3A_407, %add3A_410, %dma_start3A_414] : memref<32x1024x1024xf32, #tpu.memory_space<hbm>> -> memref<1x4x1024xf32, #tpu.memory_space<hbm>>
      %dma_start3A_416 = tpu.memref_squeeze %dma_start3A_415 : memref<1x4x1024xf32, #tpu.memory_space<hbm>> -> memref<4x1024xf32, #tpu.memory_space<hbm>>
      %dma_start3A_417 = arith.constant 0 : i32
      %dma_start3A_418 = tpu.memref_slice %arg4[%add3A_407, %add3A_410, %dma_start3A_417] : memref<32x1024x1024xf32, #tpu.memory_space<hbm>> -> memref<1x4x1024xf32, #tpu.memory_space<hbm>>
      %dma_start3A_419 = tpu.memref_squeeze %dma_start3A_418 : memref<1x4x1024xf32, #tpu.memory_space<hbm>> -> memref<4x1024xf32, #tpu.memory_space<hbm>>
      %dma_start3A_420 = arith.constant 28 : i32
      %dma_start3A_421 = arith.constant 0 : i32
      %dma_start3A_422 = tpu.memref_slice %arg7[%dma_start3A_420, %dma_start3A_421] : memref<64x1024xf32, #tpu.memory_space<vmem>> -> memref<4x1024xf32, #tpu.memory_space<vmem>>
      tpu.enqueue_dma source(%dma_start3A_422 : memref<4x1024xf32, #tpu.memory_space<vmem>>) target(%dma_start3A_419 : memref<4x1024xf32, #tpu.memory_space<hbm>>) target_semaphore(%arg10 : memref<!tpu.dma_semaphore, #tpu.memory_space<semaphore_mem>>)
      %add3A_423 = arith.constant 2 : i32
      %add3A_424 = arith.addi %mul3A_269, %add3A_423 : i32
      %lt3A_425 = arith.constant 32 : i32
      %lt3A_426 = arith.cmpi slt, %add3A_424, %lt3A_425 : i32
      %convert_element_type3A_427 = arith.extui %lt3A_426 : i1 to i32
      %cond3A_428 = arith.constant 0 : i32
      %cond3A_429 = arith.cmpi ne, %convert_element_type3A_427, %cond3A_428 : i32
      scf.if %cond3A_429 {
        %add3A_598 = arith.constant 2 : i32
        %add3A_599 = arith.addi %mul3A_269, %add3A_598 : i32
        %mul3A_600 = arith.constant 4 : i32
        %mul3A_601 = arith.muli %add3A_599, %mul3A_600 : i32
        %add3A_602 = arith.addi %mul3A_34, %mul3A_601 : i32
        %dma_start3A_603 = arith.constant 0 : i32
        %dma_start3A_604 = arith.constant 0 : i32
        %dma_start3A_605 = tpu.memref_slice %arg6[%dma_start3A_603, %dma_start3A_604] : memref<8x1024xi32, #tpu.memory_space<vmem>> -> memref<4x1024xi32, #tpu.memory_space<vmem>>
        %dma_start3A_606 = arith.constant 0 : i32
        %dma_start3A_607 = tpu.memref_slice %arg3[%add3A_602, %dma_start3A_606] : memref<1024x1024xi32, #tpu.memory_space<hbm>> -> memref<4x1024xi32, #tpu.memory_space<hbm>>
        %dma_start3A_608 = arith.constant 0 : i32
        %dma_start3A_609 = arith.constant 0 : i32
        %dma_start3A_610 = tpu.memref_slice %arg6[%dma_start3A_608, %dma_start3A_609] : memref<8x1024xi32, #tpu.memory_space<vmem>> -> memref<4x1024xi32, #tpu.memory_space<vmem>>
        %dma_start3A_611 = arith.constant 0 : i32
        %dma_start3A_612 = tpu.memref_slice %arg3[%add3A_602, %dma_start3A_611] : memref<1024x1024xi32, #tpu.memory_space<hbm>> -> memref<4x1024xi32, #tpu.memory_space<hbm>>
        tpu.enqueue_dma source(%dma_start3A_612 : memref<4x1024xi32, #tpu.memory_space<hbm>>) target(%dma_start3A_610 : memref<4x1024xi32, #tpu.memory_space<vmem>>) target_semaphore(%arg8 : memref<!tpu.dma_semaphore, #tpu.memory_space<semaphore_mem>>)
      } else {
      }
      %mul3A_430 = arith.constant 2 : i32
      %mul3A_431 = arith.muli %mul3A_430, %scan3A_267 : i32
      %add3A_432 = arith.constant 1 : i32
      %add3A_433 = arith.addi %mul3A_431, %add3A_432 : i32
      %mul3A_434 = arith.constant 4 : i32
      %mul3A_435 = arith.muli %add3A_433, %mul3A_434 : i32
      %add3A_436 = arith.addi %mul3A_34, %mul3A_435 : i32
      %dma_wait3A_437 = arith.constant 4 : i32
      %dma_wait3A_438 = arith.constant 0 : i32
      %dma_wait3A_439 = tpu.memref_slice %arg6[%dma_wait3A_437, %dma_wait3A_438] : memref<8x1024xi32, #tpu.memory_space<vmem>> -> memref<4x1024xi32, #tpu.memory_space<vmem>>
      %dma_wait3A_440 = arith.constant 0 : i32
      %dma_wait3A_441 = tpu.memref_slice %arg3[%add3A_436, %dma_wait3A_440] : memref<1024x1024xi32, #tpu.memory_space<hbm>> -> memref<4x1024xi32, #tpu.memory_space<hbm>>
      %dma_wait3A_442 = arith.constant 4 : i32
      %dma_wait3A_443 = arith.constant 0 : i32
      %dma_wait3A_444 = tpu.memref_slice %arg6[%dma_wait3A_442, %dma_wait3A_443] : memref<8x1024xi32, #tpu.memory_space<vmem>> -> memref<4x1024xi32, #tpu.memory_space<vmem>>
      %dma_wait3A_445 = arith.constant 0 : i32
      %dma_wait3A_446 = tpu.memref_slice %arg3[%add3A_436, %dma_wait3A_445] : memref<1024x1024xi32, #tpu.memory_space<hbm>> -> memref<4x1024xi32, #tpu.memory_space<hbm>>
      tpu.wait_dma2 semaphore(%arg9 : memref<!tpu.dma_semaphore, #tpu.memory_space<semaphore_mem>>) src(%dma_wait3A_446 : memref<4x1024xi32, #tpu.memory_space<hbm>>) dst(%dma_wait3A_444 : memref<4x1024xi32, #tpu.memory_space<vmem>>)
      %gt3A_447 = arith.constant 0 : i32
      %gt3A_448 = arith.cmpi sgt, %scan3A_267, %gt3A_447 : i32
      %convert_element_type3A_449 = arith.extui %gt3A_448 : i1 to i32
      %cond3A_450 = arith.constant 0 : i32
      %cond3A_451 = arith.cmpi ne, %convert_element_type3A_449, %cond3A_450 : i32
      scf.if %cond3A_451 {
        %dma_wait3A_598 = arith.constant 0 : i32
        %dma_wait3A_599 = arith.constant 32 : i32
        %dma_wait3A_600 = arith.constant 0 : i32
        %dma_wait3A_601 = tpu.memref_slice %arg7[%dma_wait3A_599, %dma_wait3A_600] : memref<64x1024xf32, #tpu.memory_space<vmem>> -> memref<32x1024xf32, #tpu.memory_space<vmem>>
        %dma_wait3A_602 = arith.constant 0 : i32
        %dma_wait3A_603 = arith.constant 0 : i32
        %dma_wait3A_604 = tpu.memref_slice %arg4[%dma_wait3A_598, %dma_wait3A_602, %dma_wait3A_603] : memref<32x1024x1024xf32, #tpu.memory_space<hbm>> -> memref<1x32x1024xf32, #tpu.memory_space<hbm>>
        %dma_wait3A_605 = tpu.memref_squeeze %dma_wait3A_604 : memref<1x32x1024xf32, #tpu.memory_space<hbm>> -> memref<32x1024xf32, #tpu.memory_space<hbm>>
        %dma_wait3A_606 = arith.constant 32 : i32
        %dma_wait3A_607 = arith.constant 0 : i32
        %dma_wait3A_608 = tpu.memref_slice %arg7[%dma_wait3A_606, %dma_wait3A_607] : memref<64x1024xf32, #tpu.memory_space<vmem>> -> memref<32x1024xf32, #tpu.memory_space<vmem>>
        %dma_wait3A_609 = arith.constant 0 : i32
        %dma_wait3A_610 = arith.constant 0 : i32
        %dma_wait3A_611 = tpu.memref_slice %arg4[%dma_wait3A_598, %dma_wait3A_609, %dma_wait3A_610] : memref<32x1024x1024xf32, #tpu.memory_space<hbm>> -> memref<1x32x1024xf32, #tpu.memory_space<hbm>>
        %dma_wait3A_612 = tpu.memref_squeeze %dma_wait3A_611 : memref<1x32x1024xf32, #tpu.memory_space<hbm>> -> memref<32x1024xf32, #tpu.memory_space<hbm>>
        tpu.wait_dma2 semaphore(%arg11 : memref<!tpu.dma_semaphore, #tpu.memory_space<semaphore_mem>>) src(%dma_wait3A_612 : memref<32x1024xf32, #tpu.memory_space<hbm>>) dst(%dma_wait3A_608 : memref<32x1024xf32, #tpu.memory_space<vmem>>)
      } else {
      }
      %parallel_loop3A_452 = arith.constant 0 : i32
      %parallel_loop3A_453 = arith.constant 256 : i32
      %parallel_loop3A_454 = arith.constant 1 : i32
      scf.for %parallel_loop3A_598 = %parallel_loop3A_452 to %parallel_loop3A_453 step %parallel_loop3A_454  : i32 {
        %parallel_loop3A_599 = arith.constant 64 : i32
        %parallel_loop3A_600 = arith.divsi %parallel_loop3A_598, %parallel_loop3A_599 : i32
        %parallel_loop3A_601 = arith.constant 0 : i32
        %parallel_loop3A_602 = arith.cmpi sgt, %parallel_loop3A_598, %parallel_loop3A_601 : i32
        %parallel_loop3A_603 = arith.extui %parallel_loop3A_602 : i1 to i32
        %parallel_loop3A_604 = arith.constant 0 : i32
        %parallel_loop3A_605 = arith.cmpi slt, %parallel_loop3A_598, %parallel_loop3A_604 : i32
        %parallel_loop3A_606 = arith.extui %parallel_loop3A_605 : i1 to i32
        %parallel_loop3A_607 = arith.subi %parallel_loop3A_603, %parallel_loop3A_606 : i32
        %parallel_loop3A_608 = arith.constant 0 : i32
        %parallel_loop3A_609 = arith.cmpi sgt, %parallel_loop3A_599, %parallel_loop3A_608 : i32
        %parallel_loop3A_610 = arith.extui %parallel_loop3A_609 : i1 to i32
        %parallel_loop3A_611 = arith.constant 0 : i32
        %parallel_loop3A_612 = arith.cmpi slt, %parallel_loop3A_599, %parallel_loop3A_611 : i32
        %parallel_loop3A_613 = arith.extui %parallel_loop3A_612 : i1 to i32
        %parallel_loop3A_614 = arith.subi %parallel_loop3A_610, %parallel_loop3A_613 : i32
        %parallel_loop3A_615 = arith.cmpi ne, %parallel_loop3A_607, %parallel_loop3A_614 : i32
        %parallel_loop3A_616 = arith.remsi %parallel_loop3A_598, %parallel_loop3A_599 : i32
        %parallel_loop3A_617 = arith.constant 0 : i32
        %parallel_loop3A_618 = arith.cmpi ne, %parallel_loop3A_616, %parallel_loop3A_617 : i32
        %parallel_loop3A_619 = arith.andi %parallel_loop3A_615, %parallel_loop3A_618 : i1
        %parallel_loop3A_620 = arith.constant 1 : i32
        %parallel_loop3A_621 = arith.subi %parallel_loop3A_600, %parallel_loop3A_620 : i32
        %parallel_loop3A_622 = arith.select %parallel_loop3A_619, %parallel_loop3A_621, %parallel_loop3A_600 : i32
        %parallel_loop3A_623 = arith.constant 64 : i32
        %parallel_loop3A_624 = arith.constant 0 : i32
        %parallel_loop3A_625 = arith.cmpi eq, %parallel_loop3A_623, %parallel_loop3A_624 : i32
        %parallel_loop3A_626 = arith.constant 1 : i32
        %parallel_loop3A_627 = arith.select %parallel_loop3A_625, %parallel_loop3A_626, %parallel_loop3A_623 : i32
        %parallel_loop3A_628 = arith.remsi %parallel_loop3A_598, %parallel_loop3A_627 : i32
        %parallel_loop3A_629 = arith.constant 0 : i32
        %parallel_loop3A_630 = arith.cmpi ne, %parallel_loop3A_628, %parallel_loop3A_629 : i32
        %parallel_loop3A_631 = arith.constant 0 : i32
        %parallel_loop3A_632 = arith.cmpi slt, %parallel_loop3A_628, %parallel_loop3A_631 : i32
        %parallel_loop3A_633 = arith.constant 0 : i32
        %parallel_loop3A_634 = arith.cmpi slt, %parallel_loop3A_627, %parallel_loop3A_633 : i32
        %parallel_loop3A_635 = arith.xori %parallel_loop3A_632, %parallel_loop3A_634 : i1
        %parallel_loop3A_636 = arith.andi %parallel_loop3A_635, %parallel_loop3A_630 : i1
        %parallel_loop3A_637 = arith.addi %parallel_loop3A_628, %parallel_loop3A_627 : i32
        %parallel_loop3A_638 = arith.select %parallel_loop3A_636, %parallel_loop3A_637, %parallel_loop3A_628 : i32
        %parallel_loop3A_639 = arith.constant 16 : i32
        %parallel_loop3A_640 = arith.muli %parallel_loop3A_638, %parallel_loop3A_639 : i32
        %parallel_loop3A_641 = arith.constant 4 : i32
        %parallel_loop3A_642 = arith.addi %parallel_loop3A_641, %parallel_loop3A_622 : i32
        %parallel_loop3A_643 = arith.index_cast %parallel_loop3A_642 : i32 to index
        %parallel_loop3A_644 = arith.index_cast %parallel_loop3A_640 : i32 to index
        %parallel_loop3A_645 = tpu.vector_load %arg6[%parallel_loop3A_643, %parallel_loop3A_644] {strides = array<i32>} : memref<8x1024xi32, #tpu.memory_space<vmem>>, vector<16xi32>,
        %parallel_loop3A_646 = arith.constant 0 : i32
        %parallel_loop3A_647 = vector.broadcast %parallel_loop3A_646 : i32 to vector<16xi32>
        %parallel_loop3A_648 = arith.addi %parallel_loop3A_645, %parallel_loop3A_647 : vector<16xi32>
        %parallel_loop3A_649 = tpu.vector_load_idx %arg5[%parallel_loop3A_648] : memref<32768xf32, #tpu.memory_space<vmem>>[vector<16xi32>], vector<16xf32>,
        %parallel_loop3A_650 = arith.constant 32 : i32
        %parallel_loop3A_651 = arith.addi %parallel_loop3A_650, %parallel_loop3A_622 : i32
        %parallel_loop3A_652 = arith.index_cast %parallel_loop3A_651 : i32 to index
        %parallel_loop3A_653 = arith.index_cast %parallel_loop3A_640 : i32 to index
        %parallel_loop3A_654 = tpu.vector_load %arg7[%parallel_loop3A_652, %parallel_loop3A_653] {strides = array<i32>} : memref<64x1024xf32, #tpu.memory_space<vmem>>, vector<16xf32>,
        tpu.vector_store %arg7[%parallel_loop3A_652, %parallel_loop3A_653], %parallel_loop3A_649 {strides = array<i32>} : memref<64x1024xf32, #tpu.memory_space<vmem>>, vector<16xf32>,
        %parallel_loop3A_655 = arith.constant 4096 : i32
        %parallel_loop3A_656 = vector.broadcast %parallel_loop3A_655 : i32 to vector<16xi32>
        %parallel_loop3A_657 = arith.addi %parallel_loop3A_645, %parallel_loop3A_656 : vector<16xi32>
        %parallel_loop3A_658 = tpu.vector_load_idx %arg5[%parallel_loop3A_657] : memref<32768xf32, #tpu.memory_space<vmem>>[vector<16xi32>], vector<16xf32>,
        %parallel_loop3A_659 = arith.constant 36 : i32
        %parallel_loop3A_660 = arith.addi %parallel_loop3A_659, %parallel_loop3A_622 : i32
        %parallel_loop3A_661 = arith.index_cast %parallel_loop3A_660 : i32 to index
        %parallel_loop3A_662 = arith.index_cast %parallel_loop3A_640 : i32 to index
        %parallel_loop3A_663 = tpu.vector_load %arg7[%parallel_loop3A_661, %parallel_loop3A_662] {strides = array<i32>} : memref<64x1024xf32, #tpu.memory_space<vmem>>, vector<16xf32>,
        tpu.vector_store %arg7[%parallel_loop3A_661, %parallel_loop3A_662], %parallel_loop3A_658 {strides = array<i32>} : memref<64x1024xf32, #tpu.memory_space<vmem>>, vector<16xf32>,
        %parallel_loop3A_664 = arith.constant 8192 : i32
        %parallel_loop3A_665 = vector.broadcast %parallel_loop3A_664 : i32 to vector<16xi32>
        %parallel_loop3A_666 = arith.addi %parallel_loop3A_645, %parallel_loop3A_665 : vector<16xi32>
        %parallel_loop3A_667 = tpu.vector_load_idx %arg5[%parallel_loop3A_666] : memref<32768xf32, #tpu.memory_space<vmem>>[vector<16xi32>], vector<16xf32>,
        %parallel_loop3A_668 = arith.constant 40 : i32
        %parallel_loop3A_669 = arith.addi %parallel_loop3A_668, %parallel_loop3A_622 : i32
        %parallel_loop3A_670 = arith.index_cast %parallel_loop3A_669 : i32 to index
        %parallel_loop3A_671 = arith.index_cast %parallel_loop3A_640 : i32 to index
        %parallel_loop3A_672 = tpu.vector_load %arg7[%parallel_loop3A_670, %parallel_loop3A_671] {strides = array<i32>} : memref<64x1024xf32, #tpu.memory_space<vmem>>, vector<16xf32>,
        tpu.vector_store %arg7[%parallel_loop3A_670, %parallel_loop3A_671], %parallel_loop3A_667 {strides = array<i32>} : memref<64x1024xf32, #tpu.memory_space<vmem>>, vector<16xf32>,
        %parallel_loop3A_673 = arith.constant 12288 : i32
        %parallel_loop3A_674 = vector.broadcast %parallel_loop3A_673 : i32 to vector<16xi32>
        %parallel_loop3A_675 = arith.addi %parallel_loop3A_645, %parallel_loop3A_674 : vector<16xi32>
        %parallel_loop3A_676 = tpu.vector_load_idx %arg5[%parallel_loop3A_675] : memref<32768xf32, #tpu.memory_space<vmem>>[vector<16xi32>], vector<16xf32>,
        %parallel_loop3A_677 = arith.constant 44 : i32
        %parallel_loop3A_678 = arith.addi %parallel_loop3A_677, %parallel_loop3A_622 : i32
        %parallel_loop3A_679 = arith.index_cast %parallel_loop3A_678 : i32 to index
        %parallel_loop3A_680 = arith.index_cast %parallel_loop3A_640 : i32 to index
        %parallel_loop3A_681 = tpu.vector_load %arg7[%parallel_loop3A_679, %parallel_loop3A_680] {strides = array<i32>} : memref<64x1024xf32, #tpu.memory_space<vmem>>, vector<16xf32>,
        tpu.vector_store %arg7[%parallel_loop3A_679, %parallel_loop3A_680], %parallel_loop3A_676 {strides = array<i32>} : memref<64x1024xf32, #tpu.memory_space<vmem>>, vector<16xf32>,
        %parallel_loop3A_682 = arith.constant 16384 : i32
        %parallel_loop3A_683 = vector.broadcast %parallel_loop3A_682 : i32 to vector<16xi32>
        %parallel_loop3A_684 = arith.addi %parallel_loop3A_645, %parallel_loop3A_683 : vector<16xi32>
        %parallel_loop3A_685 = tpu.vector_load_idx %arg5[%parallel_loop3A_684] : memref<32768xf32, #tpu.memory_space<vmem>>[vector<16xi32>], vector<16xf32>,
        %parallel_loop3A_686 = arith.constant 48 : i32
        %parallel_loop3A_687 = arith.addi %parallel_loop3A_686, %parallel_loop3A_622 : i32
        %parallel_loop3A_688 = arith.index_cast %parallel_loop3A_687 : i32 to index
        %parallel_loop3A_689 = arith.index_cast %parallel_loop3A_640 : i32 to index
        %parallel_loop3A_690 = tpu.vector_load %arg7[%parallel_loop3A_688, %parallel_loop3A_689] {strides = array<i32>} : memref<64x1024xf32, #tpu.memory_space<vmem>>, vector<16xf32>,
        tpu.vector_store %arg7[%parallel_loop3A_688, %parallel_loop3A_689], %parallel_loop3A_685 {strides = array<i32>} : memref<64x1024xf32, #tpu.memory_space<vmem>>, vector<16xf32>,
        %parallel_loop3A_691 = arith.constant 20480 : i32
        %parallel_loop3A_692 = vector.broadcast %parallel_loop3A_691 : i32 to vector<16xi32>
        %parallel_loop3A_693 = arith.addi %parallel_loop3A_645, %parallel_loop3A_692 : vector<16xi32>
        %parallel_loop3A_694 = tpu.vector_load_idx %arg5[%parallel_loop3A_693] : memref<32768xf32, #tpu.memory_space<vmem>>[vector<16xi32>], vector<16xf32>,
        %parallel_loop3A_695 = arith.constant 52 : i32
        %parallel_loop3A_696 = arith.addi %parallel_loop3A_695, %parallel_loop3A_622 : i32
        %parallel_loop3A_697 = arith.index_cast %parallel_loop3A_696 : i32 to index
        %parallel_loop3A_698 = arith.index_cast %parallel_loop3A_640 : i32 to index
        %parallel_loop3A_699 = tpu.vector_load %arg7[%parallel_loop3A_697, %parallel_loop3A_698] {strides = array<i32>} : memref<64x1024xf32, #tpu.memory_space<vmem>>, vector<16xf32>,
        tpu.vector_store %arg7[%parallel_loop3A_697, %parallel_loop3A_698], %parallel_loop3A_694 {strides = array<i32>} : memref<64x1024xf32, #tpu.memory_space<vmem>>, vector<16xf32>,
        %parallel_loop3A_700 = arith.constant 24576 : i32
        %parallel_loop3A_701 = vector.broadcast %parallel_loop3A_700 : i32 to vector<16xi32>
        %parallel_loop3A_702 = arith.addi %parallel_loop3A_645, %parallel_loop3A_701 : vector<16xi32>
        %parallel_loop3A_703 = tpu.vector_load_idx %arg5[%parallel_loop3A_702] : memref<32768xf32, #tpu.memory_space<vmem>>[vector<16xi32>], vector<16xf32>,
        %parallel_loop3A_704 = arith.constant 56 : i32
        %parallel_loop3A_705 = arith.addi %parallel_loop3A_704, %parallel_loop3A_622 : i32
        %parallel_loop3A_706 = arith.index_cast %parallel_loop3A_705 : i32 to index
        %parallel_loop3A_707 = arith.index_cast %parallel_loop3A_640 : i32 to index
        %parallel_loop3A_708 = tpu.vector_load %arg7[%parallel_loop3A_706, %parallel_loop3A_707] {strides = array<i32>} : memref<64x1024xf32, #tpu.memory_space<vmem>>, vector<16xf32>,
        tpu.vector_store %arg7[%parallel_loop3A_706, %parallel_loop3A_707], %parallel_loop3A_703 {strides = array<i32>} : memref<64x1024xf32, #tpu.memory_space<vmem>>, vector<16xf32>,
        %parallel_loop3A_709 = arith.constant 28672 : i32
        %parallel_loop3A_710 = vector.broadcast %parallel_loop3A_709 : i32 to vector<16xi32>
        %parallel_loop3A_711 = arith.addi %parallel_loop3A_645, %parallel_loop3A_710 : vector<16xi32>
        %parallel_loop3A_712 = tpu.vector_load_idx %arg5[%parallel_loop3A_711] : memref<32768xf32, #tpu.memory_space<vmem>>[vector<16xi32>], vector<16xf32>,
        %parallel_loop3A_713 = arith.constant 60 : i32
        %parallel_loop3A_714 = arith.addi %parallel_loop3A_713, %parallel_loop3A_622 : i32
        %parallel_loop3A_715 = arith.index_cast %parallel_loop3A_714 : i32 to index
        %parallel_loop3A_716 = arith.index_cast %parallel_loop3A_640 : i32 to index
        %parallel_loop3A_717 = tpu.vector_load %arg7[%parallel_loop3A_715, %parallel_loop3A_716] {strides = array<i32>} : memref<64x1024xf32, #tpu.memory_space<vmem>>, vector<16xf32>,
        tpu.vector_store %arg7[%parallel_loop3A_715, %parallel_loop3A_716], %parallel_loop3A_712 {strides = array<i32>} : memref<64x1024xf32, #tpu.memory_space<vmem>>, vector<16xf32>,
      } {sc.loop_unroll_factor = 4 : i64, sc.parallel_access}
      %add3A_455 = arith.constant 0 : i32
      %add3A_456 = arith.addi %mul3A_32, %add3A_455 : i32
      %mul3A_457 = arith.constant 4 : i32
      %mul3A_458 = arith.muli %add3A_433, %mul3A_457 : i32
      %add3A_459 = arith.addi %mul3A_34, %mul3A_458 : i32
      %dma_start3A_460 = arith.constant 32 : i32
      %dma_start3A_461 = arith.constant 0 : i32
      %dma_start3A_462 = tpu.memref_slice %arg7[%dma_start3A_460, %dma_start3A_461] : memref<64x1024xf32, #tpu.memory_space<vmem>> -> memref<4x1024xf32, #tpu.memory_space<vmem>>
      %dma_start3A_463 = arith.constant 0 : i32
      %dma_start3A_464 = tpu.memref_slice %arg4[%add3A_456, %add3A_459, %dma_start3A_463] : memref<32x1024x1024xf32, #tpu.memory_space<hbm>> -> memref<1x4x1024xf32, #tpu.memory_space<hbm>>
      %dma_start3A_465 = tpu.memref_squeeze %dma_start3A_464 : memref<1x4x1024xf32, #tpu.memory_space<hbm>> -> memref<4x1024xf32, #tpu.memory_space<hbm>>
      %dma_start3A_466 = arith.constant 0 : i32
      %dma_start3A_467 = tpu.memref_slice %arg4[%add3A_456, %add3A_459, %dma_start3A_466] : memref<32x1024x1024xf32, #tpu.memory_space<hbm>> -> memref<1x4x1024xf32, #tpu.memory_space<hbm>>
      %dma_start3A_468 = tpu.memref_squeeze %dma_start3A_467 : memref<1x4x1024xf32, #tpu.memory_space<hbm>> -> memref<4x1024xf32, #tpu.memory_space<hbm>>
      %dma_start3A_469 = arith.constant 32 : i32
      %dma_start3A_470 = arith.constant 0 : i32
      %dma_start3A_471 = tpu.memref_slice %arg7[%dma_start3A_469, %dma_start3A_470] : memref<64x1024xf32, #tpu.memory_space<vmem>> -> memref<4x1024xf32, #tpu.memory_space<vmem>>
      tpu.enqueue_dma source(%dma_start3A_471 : memref<4x1024xf32, #tpu.memory_space<vmem>>) target(%dma_start3A_468 : memref<4x1024xf32, #tpu.memory_space<hbm>>) target_semaphore(%arg11 : memref<!tpu.dma_semaphore, #tpu.memory_space<semaphore_mem>>)
      %add3A_472 = arith.constant 1 : i32
      %add3A_473 = arith.addi %mul3A_32, %add3A_472 : i32
      %mul3A_474 = arith.constant 4 : i32
      %mul3A_475 = arith.muli %add3A_433, %mul3A_474 : i32
      %add3A_476 = arith.addi %mul3A_34, %mul3A_475 : i32
      %dma_start3A_477 = arith.constant 36 : i32
      %dma_start3A_478 = arith.constant 0 : i32
      %dma_start3A_479 = tpu.memref_slice %arg7[%dma_start3A_477, %dma_start3A_478] : memref<64x1024xf32, #tpu.memory_space<vmem>> -> memref<4x1024xf32, #tpu.memory_space<vmem>>
      %dma_start3A_480 = arith.constant 0 : i32
      %dma_start3A_481 = tpu.memref_slice %arg4[%add3A_473, %add3A_476, %dma_start3A_480] : memref<32x1024x1024xf32, #tpu.memory_space<hbm>> -> memref<1x4x1024xf32, #tpu.memory_space<hbm>>
      %dma_start3A_482 = tpu.memref_squeeze %dma_start3A_481 : memref<1x4x1024xf32, #tpu.memory_space<hbm>> -> memref<4x1024xf32, #tpu.memory_space<hbm>>
      %dma_start3A_483 = arith.constant 0 : i32
      %dma_start3A_484 = tpu.memref_slice %arg4[%add3A_473, %add3A_476, %dma_start3A_483] : memref<32x1024x1024xf32, #tpu.memory_space<hbm>> -> memref<1x4x1024xf32, #tpu.memory_space<hbm>>
      %dma_start3A_485 = tpu.memref_squeeze %dma_start3A_484 : memref<1x4x1024xf32, #tpu.memory_space<hbm>> -> memref<4x1024xf32, #tpu.memory_space<hbm>>
      %dma_start3A_486 = arith.constant 36 : i32
      %dma_start3A_487 = arith.constant 0 : i32
      %dma_start3A_488 = tpu.memref_slice %arg7[%dma_start3A_486, %dma_start3A_487] : memref<64x1024xf32, #tpu.memory_space<vmem>> -> memref<4x1024xf32, #tpu.memory_space<vmem>>
      tpu.enqueue_dma source(%dma_start3A_488 : memref<4x1024xf32, #tpu.memory_space<vmem>>) target(%dma_start3A_485 : memref<4x1024xf32, #tpu.memory_space<hbm>>) target_semaphore(%arg11 : memref<!tpu.dma_semaphore, #tpu.memory_space<semaphore_mem>>)
      %add3A_489 = arith.constant 2 : i32
      %add3A_490 = arith.addi %mul3A_32, %add3A_489 : i32
      %mul3A_491 = arith.constant 4 : i32
      %mul3A_492 = arith.muli %add3A_433, %mul3A_491 : i32
      %add3A_493 = arith.addi %mul3A_34, %mul3A_492 : i32
      %dma_start3A_494 = arith.constant 40 : i32
      %dma_start3A_495 = arith.constant 0 : i32
      %dma_start3A_496 = tpu.memref_slice %arg7[%dma_start3A_494, %dma_start3A_495] : memref<64x1024xf32, #tpu.memory_space<vmem>> -> memref<4x1024xf32, #tpu.memory_space<vmem>>
      %dma_start3A_497 = arith.constant 0 : i32
      %dma_start3A_498 = tpu.memref_slice %arg4[%add3A_490, %add3A_493, %dma_start3A_497] : memref<32x1024x1024xf32, #tpu.memory_space<hbm>> -> memref<1x4x1024xf32, #tpu.memory_space<hbm>>
      %dma_start3A_499 = tpu.memref_squeeze %dma_start3A_498 : memref<1x4x1024xf32, #tpu.memory_space<hbm>> -> memref<4x1024xf32, #tpu.memory_space<hbm>>
      %dma_start3A_500 = arith.constant 0 : i32
      %dma_start3A_501 = tpu.memref_slice %arg4[%add3A_490, %add3A_493, %dma_start3A_500] : memref<32x1024x1024xf32, #tpu.memory_space<hbm>> -> memref<1x4x1024xf32, #tpu.memory_space<hbm>>
      %dma_start3A_502 = tpu.memref_squeeze %dma_start3A_501 : memref<1x4x1024xf32, #tpu.memory_space<hbm>> -> memref<4x1024xf32, #tpu.memory_space<hbm>>
      %dma_start3A_503 = arith.constant 40 : i32
      %dma_start3A_504 = arith.constant 0 : i32
      %dma_start3A_505 = tpu.memref_slice %arg7[%dma_start3A_503, %dma_start3A_504] : memref<64x1024xf32, #tpu.memory_space<vmem>> -> memref<4x1024xf32, #tpu.memory_space<vmem>>
      tpu.enqueue_dma source(%dma_start3A_505 : memref<4x1024xf32, #tpu.memory_space<vmem>>) target(%dma_start3A_502 : memref<4x1024xf32, #tpu.memory_space<hbm>>) target_semaphore(%arg11 : memref<!tpu.dma_semaphore, #tpu.memory_space<semaphore_mem>>)
      %add3A_506 = arith.constant 3 : i32
      %add3A_507 = arith.addi %mul3A_32, %add3A_506 : i32
      %mul3A_508 = arith.constant 4 : i32
      %mul3A_509 = arith.muli %add3A_433, %mul3A_508 : i32
      %add3A_510 = arith.addi %mul3A_34, %mul3A_509 : i32
      %dma_start3A_511 = arith.constant 44 : i32
      %dma_start3A_512 = arith.constant 0 : i32
      %dma_start3A_513 = tpu.memref_slice %arg7[%dma_start3A_511, %dma_start3A_512] : memref<64x1024xf32, #tpu.memory_space<vmem>> -> memref<4x1024xf32, #tpu.memory_space<vmem>>
      %dma_start3A_514 = arith.constant 0 : i32
      %dma_start3A_515 = tpu.memref_slice %arg4[%add3A_507, %add3A_510, %dma_start3A_514] : memref<32x1024x1024xf32, #tpu.memory_space<hbm>> -> memref<1x4x1024xf32, #tpu.memory_space<hbm>>
      %dma_start3A_516 = tpu.memref_squeeze %dma_start3A_515 : memref<1x4x1024xf32, #tpu.memory_space<hbm>> -> memref<4x1024xf32, #tpu.memory_space<hbm>>
      %dma_start3A_517 = arith.constant 0 : i32
      %dma_start3A_518 = tpu.memref_slice %arg4[%add3A_507, %add3A_510, %dma_start3A_517] : memref<32x1024x1024xf32, #tpu.memory_space<hbm>> -> memref<1x4x1024xf32, #tpu.memory_space<hbm>>
      %dma_start3A_519 = tpu.memref_squeeze %dma_start3A_518 : memref<1x4x1024xf32, #tpu.memory_space<hbm>> -> memref<4x1024xf32, #tpu.memory_space<hbm>>
      %dma_start3A_520 = arith.constant 44 : i32
      %dma_start3A_521 = arith.constant 0 : i32
      %dma_start3A_522 = tpu.memref_slice %arg7[%dma_start3A_520, %dma_start3A_521] : memref<64x1024xf32, #tpu.memory_space<vmem>> -> memref<4x1024xf32, #tpu.memory_space<vmem>>
      tpu.enqueue_dma source(%dma_start3A_522 : memref<4x1024xf32, #tpu.memory_space<vmem>>) target(%dma_start3A_519 : memref<4x1024xf32, #tpu.memory_space<hbm>>) target_semaphore(%arg11 : memref<!tpu.dma_semaphore, #tpu.memory_space<semaphore_mem>>)
      %add3A_523 = arith.constant 4 : i32
      %add3A_524 = arith.addi %mul3A_32, %add3A_523 : i32
      %mul3A_525 = arith.constant 4 : i32
      %mul3A_526 = arith.muli %add3A_433, %mul3A_525 : i32
      %add3A_527 = arith.addi %mul3A_34, %mul3A_526 : i32
      %dma_start3A_528 = arith.constant 48 : i32
      %dma_start3A_529 = arith.constant 0 : i32
      %dma_start3A_530 = tpu.memref_slice %arg7[%dma_start3A_528, %dma_start3A_529] : memref<64x1024xf32, #tpu.memory_space<vmem>> -> memref<4x1024xf32, #tpu.memory_space<vmem>>
      %dma_start3A_531 = arith.constant 0 : i32
      %dma_start3A_532 = tpu.memref_slice %arg4[%add3A_524, %add3A_527, %dma_start3A_531] : memref<32x1024x1024xf32, #tpu.memory_space<hbm>> -> memref<1x4x1024xf32, #tpu.memory_space<hbm>>
      %dma_start3A_533 = tpu.memref_squeeze %dma_start3A_532 : memref<1x4x1024xf32, #tpu.memory_space<hbm>> -> memref<4x1024xf32, #tpu.memory_space<hbm>>
      %dma_start3A_534 = arith.constant 0 : i32
      %dma_start3A_535 = tpu.memref_slice %arg4[%add3A_524, %add3A_527, %dma_start3A_534] : memref<32x1024x1024xf32, #tpu.memory_space<hbm>> -> memref<1x4x1024xf32, #tpu.memory_space<hbm>>
      %dma_start3A_536 = tpu.memref_squeeze %dma_start3A_535 : memref<1x4x1024xf32, #tpu.memory_space<hbm>> -> memref<4x1024xf32, #tpu.memory_space<hbm>>
      %dma_start3A_537 = arith.constant 48 : i32
      %dma_start3A_538 = arith.constant 0 : i32
      %dma_start3A_539 = tpu.memref_slice %arg7[%dma_start3A_537, %dma_start3A_538] : memref<64x1024xf32, #tpu.memory_space<vmem>> -> memref<4x1024xf32, #tpu.memory_space<vmem>>
      tpu.enqueue_dma source(%dma_start3A_539 : memref<4x1024xf32, #tpu.memory_space<vmem>>) target(%dma_start3A_536 : memref<4x1024xf32, #tpu.memory_space<hbm>>) target_semaphore(%arg11 : memref<!tpu.dma_semaphore, #tpu.memory_space<semaphore_mem>>)
      %add3A_540 = arith.constant 5 : i32
      %add3A_541 = arith.addi %mul3A_32, %add3A_540 : i32
      %mul3A_542 = arith.constant 4 : i32
      %mul3A_543 = arith.muli %add3A_433, %mul3A_542 : i32
      %add3A_544 = arith.addi %mul3A_34, %mul3A_543 : i32
      %dma_start3A_545 = arith.constant 52 : i32
      %dma_start3A_546 = arith.constant 0 : i32
      %dma_start3A_547 = tpu.memref_slice %arg7[%dma_start3A_545, %dma_start3A_546] : memref<64x1024xf32, #tpu.memory_space<vmem>> -> memref<4x1024xf32, #tpu.memory_space<vmem>>
      %dma_start3A_548 = arith.constant 0 : i32
      %dma_start3A_549 = tpu.memref_slice %arg4[%add3A_541, %add3A_544, %dma_start3A_548] : memref<32x1024x1024xf32, #tpu.memory_space<hbm>> -> memref<1x4x1024xf32, #tpu.memory_space<hbm>>
      %dma_start3A_550 = tpu.memref_squeeze %dma_start3A_549 : memref<1x4x1024xf32, #tpu.memory_space<hbm>> -> memref<4x1024xf32, #tpu.memory_space<hbm>>
      %dma_start3A_551 = arith.constant 0 : i32
      %dma_start3A_552 = tpu.memref_slice %arg4[%add3A_541, %add3A_544, %dma_start3A_551] : memref<32x1024x1024xf32, #tpu.memory_space<hbm>> -> memref<1x4x1024xf32, #tpu.memory_space<hbm>>
      %dma_start3A_553 = tpu.memref_squeeze %dma_start3A_552 : memref<1x4x1024xf32, #tpu.memory_space<hbm>> -> memref<4x1024xf32, #tpu.memory_space<hbm>>
      %dma_start3A_554 = arith.constant 52 : i32
      %dma_start3A_555 = arith.constant 0 : i32
      %dma_start3A_556 = tpu.memref_slice %arg7[%dma_start3A_554, %dma_start3A_555] : memref<64x1024xf32, #tpu.memory_space<vmem>> -> memref<4x1024xf32, #tpu.memory_space<vmem>>
      tpu.enqueue_dma source(%dma_start3A_556 : memref<4x1024xf32, #tpu.memory_space<vmem>>) target(%dma_start3A_553 : memref<4x1024xf32, #tpu.memory_space<hbm>>) target_semaphore(%arg11 : memref<!tpu.dma_semaphore, #tpu.memory_space<semaphore_mem>>)
      %add3A_557 = arith.constant 6 : i32
      %add3A_558 = arith.addi %mul3A_32, %add3A_557 : i32
      %mul3A_559 = arith.constant 4 : i32
      %mul3A_560 = arith.muli %add3A_433, %mul3A_559 : i32
      %add3A_561 = arith.addi %mul3A_34, %mul3A_560 : i32
      %dma_start3A_562 = arith.constant 56 : i32
      %dma_start3A_563 = arith.constant 0 : i32
      %dma_start3A_564 = tpu.memref_slice %arg7[%dma_start3A_562, %dma_start3A_563] : memref<64x1024xf32, #tpu.memory_space<vmem>> -> memref<4x1024xf32, #tpu.memory_space<vmem>>
      %dma_start3A_565 = arith.constant 0 : i32
      %dma_start3A_566 = tpu.memref_slice %arg4[%add3A_558, %add3A_561, %dma_start3A_565] : memref<32x1024x1024xf32, #tpu.memory_space<hbm>> -> memref<1x4x1024xf32, #tpu.memory_space<hbm>>
      %dma_start3A_567 = tpu.memref_squeeze %dma_start3A_566 : memref<1x4x1024xf32, #tpu.memory_space<hbm>> -> memref<4x1024xf32, #tpu.memory_space<hbm>>
      %dma_start3A_568 = arith.constant 0 : i32
      %dma_start3A_569 = tpu.memref_slice %arg4[%add3A_558, %add3A_561, %dma_start3A_568] : memref<32x1024x1024xf32, #tpu.memory_space<hbm>> -> memref<1x4x1024xf32, #tpu.memory_space<hbm>>
      %dma_start3A_570 = tpu.memref_squeeze %dma_start3A_569 : memref<1x4x1024xf32, #tpu.memory_space<hbm>> -> memref<4x1024xf32, #tpu.memory_space<hbm>>
      %dma_start3A_571 = arith.constant 56 : i32
      %dma_start3A_572 = arith.constant 0 : i32
      %dma_start3A_573 = tpu.memref_slice %arg7[%dma_start3A_571, %dma_start3A_572] : memref<64x1024xf32, #tpu.memory_space<vmem>> -> memref<4x1024xf32, #tpu.memory_space<vmem>>
      tpu.enqueue_dma source(%dma_start3A_573 : memref<4x1024xf32, #tpu.memory_space<vmem>>) target(%dma_start3A_570 : memref<4x1024xf32, #tpu.memory_space<hbm>>) target_semaphore(%arg11 : memref<!tpu.dma_semaphore, #tpu.memory_space<semaphore_mem>>)
      %add3A_574 = arith.constant 7 : i32
      %add3A_575 = arith.addi %mul3A_32, %add3A_574 : i32
      %mul3A_576 = arith.constant 4 : i32
      %mul3A_577 = arith.muli %add3A_433, %mul3A_576 : i32
      %add3A_578 = arith.addi %mul3A_34, %mul3A_577 : i32
      %dma_start3A_579 = arith.constant 60 : i32
      %dma_start3A_580 = arith.constant 0 : i32
      %dma_start3A_581 = tpu.memref_slice %arg7[%dma_start3A_579, %dma_start3A_580] : memref<64x1024xf32, #tpu.memory_space<vmem>> -> memref<4x1024xf32, #tpu.memory_space<vmem>>
      %dma_start3A_582 = arith.constant 0 : i32
      %dma_start3A_583 = tpu.memref_slice %arg4[%add3A_575, %add3A_578, %dma_start3A_582] : memref<32x1024x1024xf32, #tpu.memory_space<hbm>> -> memref<1x4x1024xf32, #tpu.memory_space<hbm>>
      %dma_start3A_584 = tpu.memref_squeeze %dma_start3A_583 : memref<1x4x1024xf32, #tpu.memory_space<hbm>> -> memref<4x1024xf32, #tpu.memory_space<hbm>>
      %dma_start3A_585 = arith.constant 0 : i32
      %dma_start3A_586 = tpu.memref_slice %arg4[%add3A_575, %add3A_578, %dma_start3A_585] : memref<32x1024x1024xf32, #tpu.memory_space<hbm>> -> memref<1x4x1024xf32, #tpu.memory_space<hbm>>
      %dma_start3A_587 = tpu.memref_squeeze %dma_start3A_586 : memref<1x4x1024xf32, #tpu.memory_space<hbm>> -> memref<4x1024xf32, #tpu.memory_space<hbm>>
      %dma_start3A_588 = arith.constant 60 : i32
      %dma_start3A_589 = arith.constant 0 : i32
      %dma_start3A_590 = tpu.memref_slice %arg7[%dma_start3A_588, %dma_start3A_589] : memref<64x1024xf32, #tpu.memory_space<vmem>> -> memref<4x1024xf32, #tpu.memory_space<vmem>>
      tpu.enqueue_dma source(%dma_start3A_590 : memref<4x1024xf32, #tpu.memory_space<vmem>>) target(%dma_start3A_587 : memref<4x1024xf32, #tpu.memory_space<hbm>>) target_semaphore(%arg11 : memref<!tpu.dma_semaphore, #tpu.memory_space<semaphore_mem>>)
      %add3A_591 = arith.constant 2 : i32
      %add3A_592 = arith.addi %add3A_433, %add3A_591 : i32
      %lt3A_593 = arith.constant 32 : i32
      %lt3A_594 = arith.cmpi slt, %add3A_592, %lt3A_593 : i32
      %convert_element_type3A_595 = arith.extui %lt3A_594 : i1 to i32
      %cond3A_596 = arith.constant 0 : i32
      %cond3A_597 = arith.cmpi ne, %convert_element_type3A_595, %cond3A_596 : i32
      scf.if %cond3A_597 {
        %add3A_598 = arith.constant 2 : i32
        %add3A_599 = arith.addi %add3A_433, %add3A_598 : i32
        %mul3A_600 = arith.constant 4 : i32
        %mul3A_601 = arith.muli %add3A_599, %mul3A_600 : i32
        %add3A_602 = arith.addi %mul3A_34, %mul3A_601 : i32
        %dma_start3A_603 = arith.constant 4 : i32
        %dma_start3A_604 = arith.constant 0 : i32
        %dma_start3A_605 = tpu.memref_slice %arg6[%dma_start3A_603, %dma_start3A_604] : memref<8x1024xi32, #tpu.memory_space<vmem>> -> memref<4x1024xi32, #tpu.memory_space<vmem>>
        %dma_start3A_606 = arith.constant 0 : i32
        %dma_start3A_607 = tpu.memref_slice %arg3[%add3A_602, %dma_start3A_606] : memref<1024x1024xi32, #tpu.memory_space<hbm>> -> memref<4x1024xi32, #tpu.memory_space<hbm>>
        %dma_start3A_608 = arith.constant 4 : i32
        %dma_start3A_609 = arith.constant 0 : i32
        %dma_start3A_610 = tpu.memref_slice %arg6[%dma_start3A_608, %dma_start3A_609] : memref<8x1024xi32, #tpu.memory_space<vmem>> -> memref<4x1024xi32, #tpu.memory_space<vmem>>
        %dma_start3A_611 = arith.constant 0 : i32
        %dma_start3A_612 = tpu.memref_slice %arg3[%add3A_602, %dma_start3A_611] : memref<1024x1024xi32, #tpu.memory_space<hbm>> -> memref<4x1024xi32, #tpu.memory_space<hbm>>
        tpu.enqueue_dma source(%dma_start3A_612 : memref<4x1024xi32, #tpu.memory_space<hbm>>) target(%dma_start3A_610 : memref<4x1024xi32, #tpu.memory_space<vmem>>) target_semaphore(%arg9 : memref<!tpu.dma_semaphore, #tpu.memory_space<semaphore_mem>>)
      } else {
      }
    }
    %scan3A_236 = arith.constant 16 : i32
    %dma_wait3A_237 = arith.constant 0 : i32
    %dma_wait3A_238 = arith.constant 0 : i32
    %dma_wait3A_239 = arith.constant 0 : i32
    %dma_wait3A_240 = tpu.memref_slice %arg7[%dma_wait3A_238, %dma_wait3A_239] : memref<64x1024xf32, #tpu.memory_space<vmem>> -> memref<32x1024xf32, #tpu.memory_space<vmem>>
    %dma_wait3A_241 = arith.constant 0 : i32
    %dma_wait3A_242 = arith.constant 0 : i32
    %dma_wait3A_243 = tpu.memref_slice %arg4[%dma_wait3A_237, %dma_wait3A_241, %dma_wait3A_242] : memref<32x1024x1024xf32, #tpu.memory_space<hbm>> -> memref<1x32x1024xf32, #tpu.memory_space<hbm>>
    %dma_wait3A_244 = tpu.memref_squeeze %dma_wait3A_243 : memref<1x32x1024xf32, #tpu.memory_space<hbm>> -> memref<32x1024xf32, #tpu.memory_space<hbm>>
    %dma_wait3A_245 = arith.constant 0 : i32
    %dma_wait3A_246 = arith.constant 0 : i32
    %dma_wait3A_247 = tpu.memref_slice %arg7[%dma_wait3A_245, %dma_wait3A_246] : memref<64x1024xf32, #tpu.memory_space<vmem>> -> memref<32x1024xf32, #tpu.memory_space<vmem>>
    %dma_wait3A_248 = arith.constant 0 : i32
    %dma_wait3A_249 = arith.constant 0 : i32
    %dma_wait3A_250 = tpu.memref_slice %arg4[%dma_wait3A_237, %dma_wait3A_248, %dma_wait3A_249] : memref<32x1024x1024xf32, #tpu.memory_space<hbm>> -> memref<1x32x1024xf32, #tpu.memory_space<hbm>>
    %dma_wait3A_251 = tpu.memref_squeeze %dma_wait3A_250 : memref<1x32x1024xf32, #tpu.memory_space<hbm>> -> memref<32x1024xf32, #tpu.memory_space<hbm>>
    tpu.wait_dma2 semaphore(%arg10 : memref<!tpu.dma_semaphore, #tpu.memory_space<semaphore_mem>>) src(%dma_wait3A_251 : memref<32x1024xf32, #tpu.memory_space<hbm>>) dst(%dma_wait3A_247 : memref<32x1024xf32, #tpu.memory_space<vmem>>)
    %dma_wait3A_252 = arith.constant 0 : i32
    %dma_wait3A_253 = arith.constant 32 : i32
    %dma_wait3A_254 = arith.constant 0 : i32
    %dma_wait3A_255 = tpu.memref_slice %arg7[%dma_wait3A_253, %dma_wait3A_254] : memref<64x1024xf32, #tpu.memory_space<vmem>> -> memref<32x1024xf32, #tpu.memory_space<vmem>>
    %dma_wait3A_256 = arith.constant 0 : i32
    %dma_wait3A_257 = arith.constant 0 : i32
    %dma_wait3A_258 = tpu.memref_slice %arg4[%dma_wait3A_252, %dma_wait3A_256, %dma_wait3A_257] : memref<32x1024x1024xf32, #tpu.memory_space<hbm>> -> memref<1x32x1024xf32, #tpu.memory_space<hbm>>
    %dma_wait3A_259 = tpu.memref_squeeze %dma_wait3A_258 : memref<1x32x1024xf32, #tpu.memory_space<hbm>> -> memref<32x1024xf32, #tpu.memory_space<hbm>>
    %dma_wait3A_260 = arith.constant 32 : i32
    %dma_wait3A_261 = arith.constant 0 : i32
    %dma_wait3A_262 = tpu.memref_slice %arg7[%dma_wait3A_260, %dma_wait3A_261] : memref<64x1024xf32, #tpu.memory_space<vmem>> -> memref<32x1024xf32, #tpu.memory_space<vmem>>
    %dma_wait3A_263 = arith.constant 0 : i32
    %dma_wait3A_264 = arith.constant 0 : i32
    %dma_wait3A_265 = tpu.memref_slice %arg4[%dma_wait3A_252, %dma_wait3A_263, %dma_wait3A_264] : memref<32x1024x1024xf32, #tpu.memory_space<hbm>> -> memref<1x32x1024xf32, #tpu.memory_space<hbm>>
    %dma_wait3A_266 = tpu.memref_squeeze %dma_wait3A_265 : memref<1x32x1024xf32, #tpu.memory_space<hbm>> -> memref<32x1024xf32, #tpu.memory_space<hbm>>
    tpu.wait_dma2 semaphore(%arg11 : memref<!tpu.dma_semaphore, #tpu.memory_space<semaphore_mem>>) src(%dma_wait3A_266 : memref<32x1024xf32, #tpu.memory_space<hbm>>) dst(%dma_wait3A_262 : memref<32x1024xf32, #tpu.memory_space<vmem>>)
    return
  }
}

</mosaic_0001>

<sc_bundles>
// kernel: kernel.3.cloned.1.call-start
scs
__scs_entry_jumppad:
0x0: {  	(pc) =	sbr.rel $0x88, $3  }
0x1: {  	(tag) =	ssettag $0x0;
	lr =	simm.s32 $0x1  }
0x2: {  	[smem:$0x3F9F] =	sst lr;
	_ =	strace $0xD0000000  }
0x3: {  	_ = 	snop  }
0x4: {  	_ = 	snop  }
0x5: {  	_ = 	snop  }
0x6: {  	_ = 	snop  }
0x7: {  	_ = 	snop  }
__scs_overlays_trampoline_lowered:
0x8: {  	[smem:$0x3FAE] =	sst s0  }
0x9: {  	[smem:$0x3FAF] =	sst s1  }
0xa: {  	[smem:$0x3FB0] =	sst s2  }
0xb: {  	[smem:$0x3FB1] =	sst s3  }
0xc: {  	[smem:$0x3FB2] =	sst s4  }
0xd: {  	[smem:$0x3FB3] =	sst s5  }
0xe: {  	[smem:$0x3FB4] =	sst s6  }
0xf: {  	[smem:$0x3FB5] =	sst s7  }
0x10: {  	[smem:$0x3FB6] =	sst s8  }
0x11: {  	[smem:$0x3FB7] =	sst s9;
	s0 =	simm.s32 @!p0 $0x0  }
0x12: {  	s1 =	sld [smem:$0x3F9D];
	s0 =	simm.s32 @p0 $0x1  }
0x13: {  	[smem:$0x3FB8] =	sst s0;
	s0 =	simm.s32 @!p1 $0x0  }
0x14: {  	s2 =	sld [smem:$0x3F9C];
	s0 =	simm.s32 @p1 $0x1  }
0x15: {  	[smem:$0x3FB9] =	sst s0;
	s0 =	simm.s32 @!p2 $0x0  }
0x16: {  	s3 =	sld [smem:$0x3FDB];
	s0 =	simm.s32 @p2 $0x1  }
0x17: {  	s4 =	simm.s32 $0x1BF5;
	[smem:$0x3FBB] =	sst s0  }
0x18: {  	s0 =	sld [smem:$0x3F9E];
	_ =	swait.ge [sflag:s4], $0x0  }
0x19: {  	s7 =	sld [smem:$0x3F9F]  }
0x1a: {  	s8 =	sadd.s32 $0xFFFFE003, lr  }
0x1b: {  	s9 =	sadd.s32 $0xFFFFFEF7, lr;
	s5 =	simm.s32 $0xFFFFFFFF;
	p2 =	slt.u32 s8, $0xFFFFF086  }
0x1c: {  	p1 =	slt.u32 s9, $0xF7A;
	s5 =	simm.s32 @!p2 $0x0  }
0x1d: {  	s5 =	simm.s32 @p1 $0x1;
	p0 =	seq.s32 s7, s2  }
0x1e: {  	s7 =	smul.u32 @!p0 $0xF7A, s2;
	p2 =	seq.s32 @!p0 s5, $0x0  }
0x1f: {  	s9 =	smul.u32 $0xF7A, s1;
	s8 =	simm.s32 @!p0 $0x1BF5;
	p2 =	por !p2, p0  }
0x20: {  	[sflag:s8] =	ssyncset.s32 @!p0 $0xFFFFF086;
	s6 =	sadd.s32 @!p0 s3, s7;
	s7 =	simm.s32 @!p0 $0x108  }
0x21: {  	s3 =	sadd.s32 s3, s9;
	s6 =	sadd.s32 @!p0 $0x88, s6;
	s7 =	simm.s32 @p2 $0x1082  }
0x22: {  	[simem:s7], [sflag:s8] =	dma.local @!p0 [hbm:s6], $0xF7A  }
0x23: {  	s9 =	sor.u32 $0xD0000000, s2;
	s6 =	simm.s32 $0x108;
	_ =	swait.ge @!p0 [sflag:s8], $0x0  }
0x24: {  	s3 =	sadd.s32 $0x88, s3;
	s6 =	simm.s32 @!p1 $0x1082;
	[sflag:s4] =	ssyncset.s32 $0xFFFFF086  }
0x25: {  	[simem:s6], [sflag:s4] =	dma.local [hbm:s3], $0xF7A  }
0x26: {  	[smem:$0x3F9F] =	sst s1;
	(tag) =	ssettag s2;
	_ =	strace s9  }
0x27: {  	s1 =	sld [smem:$0x3FAF]  }
0x28: {  	s2 =	sld [smem:$0x3FB0]  }
0x29: {  	s4 =	sld [smem:$0x3FB2]  }
0x2a: {  	p0 =	seq.s32 s5, $0x0;
	s5 =	sld [smem:$0x3FB3]  }
0x2b: {  	s6 =	sld [smem:$0x3FB4]  }
0x2c: {  	s7 =	sld [smem:$0x3FB5]  }
0x2d: {  	s3 =	simm.s32 $0x108;
	s8 =	sld [smem:$0x3FB6]  }
0x2e: {  	s3 =	simm.s32 @!p0 $0x1082;
	s9 =	sld [smem:$0x3FB7]  }
0x2f: {  	lr =	sadd.s32 s0, s3;
	s0 =	sld [smem:$0x3FAE]  }
0x30: {  	s3 =	sld [smem:$0x3FB1]  }
0x31: {  	[smem:$0x3FBA] =	sst s10  }
0x32: {  	s10 =	sld [smem:$0x3FB8];
	_ =	sdelay $0x3  }
0x33: {  	p0 =	seq.s32 s10, $0x1;
	s10 =	sld [smem:$0x3FBA];
	_ =	sdelay $0x3  }
0x34: {  	[smem:$0x3FBA] =	sst s10  }
0x35: {  	s10 =	sld [smem:$0x3FB9];
	_ =	sdelay $0x3  }
0x36: {  	p1 =	seq.s32 s10, $0x1;
	s10 =	sld [smem:$0x3FBA];
	_ =	sdelay $0x3  }
0x37: {  	[smem:$0x3FBA] =	sst s10  }
0x38: {  	s10 =	sld [smem:$0x3FBB]  }
0x39: {  	_ = 	snop;
	(pc) =	sbr.ind lr, $3  }
0x3a: {  	_ = 	snop  }
0x3b: {  	_ = 	snop  }
0x3c: {  	p2 =	seq.s32 s10, $0x1;
	s10 =	sld [smem:$0x3FBA]  }
0x3d: {  	_ =	shalt  }
0x3e: {  	_ =	shalt  }
0x3f: {  	_ =	shalt  }
0x40: {  	_ =	shalt  }
0x41: {  	_ =	shalt  }
0x42: {  	_ =	shalt  }
0x43: {  	_ =	shalt  }
0x44: {  	_ =	shalt  }
0x45: {  	_ =	shalt  }
0x46: {  	_ =	shalt  }
0x47: {  	_ =	shalt  }
0x48: {  	_ =	shalt  }
0x49: {  	_ =	shalt  }
0x4a: {  	_ =	shalt  }
0x4b: {  	_ =	shalt  }
0x4c: {  	_ =	shalt  }
0x4d: {  	_ =	shalt  }
0x4e: {  	_ =	shalt  }
0x4f: {  	_ =	shalt  }
0x50: {  	_ =	shalt  }
0x51: {  	_ =	shalt  }
0x52: {  	_ =	shalt  }
0x53: {  	_ =	shalt  }
0x54: {  	_ =	shalt  }
0x55: {  	_ =	shalt  }
0x56: {  	_ =	shalt  }
0x57: {  	_ =	shalt  }
0x58: {  	_ =	shalt  }
0x59: {  	_ =	shalt  }
0x5a: {  	_ =	shalt  }
0x5b: {  	_ =	shalt  }
0x5c: {  	_ =	shalt  }
0x5d: {  	_ =	shalt  }
0x5e: {  	_ =	shalt  }
0x5f: {  	_ =	shalt  }
0x60: {  	_ =	shalt  }
0x61: {  	_ =	shalt  }
0x62: {  	_ =	shalt  }
0x63: {  	_ =	shalt  }
0x64: {  	_ =	shalt  }
0x65: {  	_ =	shalt  }
0x66: {  	_ =	shalt  }
0x67: {  	_ =	shalt  }
0x68: {  	_ =	shalt  }
0x69: {  	_ =	shalt  }
0x6a: {  	_ =	shalt  }
0x6b: {  	_ =	shalt  }
0x6c: {  	_ =	shalt  }
0x6d: {  	_ =	shalt  }
0x6e: {  	_ =	shalt  }
0x6f: {  	_ =	shalt  }
0x70: {  	_ =	shalt  }
0x71: {  	_ =	shalt  }
0x72: {  	_ =	shalt  }
0x73: {  	_ =	shalt  }
0x74: {  	_ =	shalt  }
0x75: {  	_ =	shalt  }
0x76: {  	_ =	shalt  }
0x77: {  	_ =	shalt  }
0x78: {  	_ =	shalt  }
0x79: {  	_ =	shalt  }
0x7a: {  	_ =	shalt  }
0x7b: {  	_ =	shalt  }
0x7c: {  	_ =	shalt  }
0x7d: {  	_ =	shalt  }
0x7e: {  	_ =	shalt  }
0x7f: {  	_ =	shalt  }
0x80: {  	_ =	shalt  }
0x81: {  	_ =	shalt  }
0x82: {  	_ =	shalt  }
0x83: {  	_ =	shalt  }
0x84: {  	_ =	shalt  }
0x85: {  	_ =	shalt  }
0x86: {  	_ =	shalt  }
0x87: {  	_ =	shalt  }
.Lfunc_end0:
.L_simem_size_0:
called_computation_lowered:
.L_overlay_start_0:
0x88: {  	s2 =	sld [smem:$0x3FD9]  }
0x89: {  	s3 =	sld [smem:$0x3FFE];
	_ =	sdelay $0x1  }
0x8a: {  	s1 =	srdreg.scid  }
0x8b: {  	s0 =	sand.u32 $0x1, s1  }
0x8c: {  	s17 =	sshll.u32 s0, $0xA;
	s2 =	sadd.s32 s3, s2  }
0x8d: {  	s2 =	sadd.s32 s2, s17  }
0x8e: {  	[smem:$0x3FC6] =	sst s2  }
0x8f: {  	_ = 	snop  }
0x90: {  	s2 =	sld [smem:$0x3FC8]  }
0x91: {  	s18 =	sld [smem:$0x3FD0];
	(tm) =	ssettm $0x1  }
0x92: {  	s4 =	sld [smem:$0x3FFB];
	_ =	sdelay $0x3  }
0x93: {  	_ =	strace s4  }
0x94: {  	s4 =	sld [smem:$0x3FFC];
	_ =	sdelay $0x3  }
0x95: {  	_ =	strace s4  }
0x96: {  	s4 =	sld [smem:$0x3FFD];
	_ =	sdelay $0x3  }
0x97: {  	_ =	strace s4  }
0x98: {  	_ =	strace $0x8FFFFFFF  }
0x99: {  	s19 =	sld [smem:$0x3FDB];
	_ =	sdelay $0x1  }
0x9a: {  	s5 =	simm.s32 $_scs_section_size  }
0x9b: {  	s6 =	simm.s32 $_size__tile_overlayer_lowered;
	s7 =	simm.s32 $_tile_overlayer_lowered  }
0x9c: {  	s22 =	simm.s32 $0x1BFF;
	s21 =	sshll.u32 s7, $0x1;
	s4 =	sadd.s32 s5, s19  }
0x9d: {  	s8 =	simm.s32 $0x0;
	s20 =	sshll.u32 s6, $0x1;
	s6 =	sadd.s32 s21, s4  }
0x9e: {  	[timem:s8], [sflag:s22] =	dma.local [hbm:s6], s20  }
0x9f: {  	_ =	swait.ge [sflag:s22], s20  }
0xa0: {  	s5 =	ssub.s32 $0x0, s20;
	[sflag:s22] =	ssyncset.done $0x0  }
0xa1: {  	[sflag:s22] =	ssyncadd.s32 s5;
	_ =	sdelay $0x1  }
0xa2: {  	s23 =	simm.s32 $0x1B8B  }
0xa3: {  	_ =	swait.ge [sflag:s23], $0x1  }
0xa4: {  	[sflag:s23] =	ssyncset.done $0x0  }
0xa5: {  	s25 =	simm.s32 $0x1B8E;
	s24 =	sld [smem:$0x3FFE];
	[sflag:s23] =	ssyncadd.s32 $0xFFFFFFFF  }
0xa6: {  	s26 =	simm.s32 $execute0_lowered;
	[smem:$0x3FD2] =	sst s25  }
0xa7: {  	s6 =	sshll.u32 s26, $0x1;
	_ =	strace $0x80000046;
	[dreg:$0x1] =	wrdreg $0xFFFFFFFF  }
0xa8: {  	s28 =	simm.s32 $_size_execute0_lowered;
	s4 =	sadd.s32 s4, s6;
	[dreg:$0x0] =	wrdreg $0x0  }
0xa9: {  	s6 =	sshll.u32 s28, $0x1;
	[dreg:$0x2] =	wrdreg s4  }
0xaa: {  	[dreg:$0x3] =	wrdreg s6  }
0xab: {  	[dreg:$0x4] =	wrdreg $0xC0  }
0xac: {  	_ =	task [dreg:s8], $0x5FFFF  }
0xad: {  	[dreg:$0x1] =	wrdreg $0xFFFFFFFF  }
0xae: {  	[dreg:$0x0] =	wrdreg $0x60  }
0xaf: {  	[dreg:$0x2] =	wrdreg s24  }
0xb0: {  	[dreg:$0x3] =	wrdreg s2  }
0xb1: {  	[dreg:$0x4] =	wrdreg s18  }
0xb2: {  	[dreg:$0x5] =	wrdreg $0x9  }
0xb3: {  	_ =	task.clear_ibuf [dreg:s8], $0x6FFFF;
	_ =	strace $0x90000046  }
0xb4: {  	s29 =	simm.s32 $0x9;
	_ =	strace $0x80000048  }
0xb5: {  	_ =	swait.ge [sflag:s29], $0x1  }
0xb6: {  	[sflag:s29] =	ssyncadd.s32 $0xFFFFFFFF  }
0xb7: {  	_ =	strace $0x90000048  }
0xb8: {  	_ =	sfence  }
0xb9: {  	s30 =	sld [smem:$0x0];
	_ =	sdelay $0x2  }
0xba: {  	s31 =	sshll.u32 s1, $0xD;
	s1 =	sshrl.u32 s1, $0x2  }
0xbb: {  	s3 =	sand.u32 $0x4000, s31;
	s1 =	sadd.s32 s1, s30  }
0xbc: {  	s0 =	sor.u32 s3, s0;
	s1 =	sshll.u32 s1, $0x11  }
0xbd: {  	s0 =	sor.u32 s1, s0  }
0xbe: {  	s0 =	sadd.s32 $0x8F2B, s0  }
0xbf: {  	[sflag:s0] =	ssyncadd.remote.s32 $0x1  }
0xc0: {  	_ =	sfence.sel $0xFFFF  }
0xc1: {  	[dreg:$0x0] =	wrdreg $0xFFFFFFFF;
	(pc) =	sbr.abs _section_cstart, $3  }
0xc2: {  	[dreg:$0x1] =	wrdreg $0xFFFFFFFF  }
0xc3: {  	_ =	task.clear_ibuf [dreg:s8], $0x2FFFF;
	_ =	strace $0x9FFFFFFF  }
0xc4: {  	(tm) =	ssettm $0x7FFFFFFF  }
0xc5: {  	_ =	shalt  }
tec
execute0_lowered:
.L_overlay_start_1:
0x0: {  	(tag) =	ssettag $0x1  }
0x1: {  	s0 =	rddreg [dreg:$0x0]  }
0x2: {  	s1 =	rddreg [dreg:$0x1]  }
0x3: {  	s2 =	rddreg [dreg:$0x2];
	s7 =	stileid.u32  }
0x4: {  	s3 =	simm.s32 $0x0;
	s4 =	srdreg.scid;
	s5 =	sshll.u32 s7, $0x1  }
0x5: {  	[smem:$0x7FF] =	sst s3;
	s4 =	sand.u32 $0x1, s4;
	s7 =	sshrl.u32 s7, $0x1  }
0x6: {  	s13 =	sadd.s32 $0x40, s2;
	s5 =	sand.u32 $0x2, s5;
	_ =	strace $0x80000047  }
0x7: {  	s8 =	sshll.u32 s7, $0xE;
	s28 =	sshll.u32 s7, $0x11;
	[dreg:$0x11] =	wrdreg s13  }
0x8: {  	s5 =	sor.u32 s4, s5;
	s1 =	sadd.s32 s1, s8;
	[dreg:$0x6] =	wrdreg s28  }
0x9: {  	s6 =	sshll.u32 s5, $0xC;
	s5 =	sshll.u32 s5, $0x17;
	[dreg:$0x5] =	wrdreg s1  }
0xa: {  	s29 =	sadd.s32 $0x40, s1;
	[dreg:$0x4] =	wrdreg s5  }
0xb: {  	s12 =	sadd.s32 $0x400, s1;
	[dreg:$0x7] =	wrdreg s29  }
0xc: {  	s14 =	sadd.s32 $0x440, s1;
	[dreg:$0x10] =	wrdreg s12  }
0xd: {  	s16 =	sadd.s32 $0x80, s1;
	[dreg:$0x12] =	wrdreg s14  }
0xe: {  	s17 =	sadd.s32 $0x100, s1;
	[dreg:$0x14] =	wrdreg s16  }
0xf: {  	s18 =	sadd.s32 $0x180, s1;
	[dreg:$0x15] =	wrdreg s17  }
0x10: {  	s19 =	sadd.s32 $0x200, s1;
	[dreg:$0x16] =	wrdreg s18  }
0x11: {  	s20 =	sadd.s32 $0x280, s1;
	[dreg:$0x17] =	wrdreg s19  }
0x12: {  	s21 =	sadd.s32 $0x300, s1;
	[dreg:$0x18] =	wrdreg s20  }
0x13: {  	s22 =	sadd.s32 $0x380, s1;
	[dreg:$0x19] =	wrdreg s21  }
0x14: {  	s23 =	sadd.s32 $0xC0, s1;
	[dreg:$0x1a] =	wrdreg s22  }
0x15: {  	s24 =	sadd.s32 $0x140, s1;
	[dreg:$0x1b] =	wrdreg s23  }
0x16: {  	s4 =	ssub.s32 $0x2, s4;
	s25 =	sadd.s32 $0x1C0, s1;
	[dreg:$0x1c] =	wrdreg s24  }
0x17: {  	s26 =	sshrl.u32 s4, $0x1;
	s28 =	sadd.s32 $0x2C0, s1;
	[dreg:$0x1d] =	wrdreg s25  }
0x18: {  	s4 =	ssub.s32 s4, s26;
	s26 =	sadd.s32 $0x240, s1;
	[dreg:$0x1f] =	wrdreg s28  }
0x19: {  	s0 =	sadd.s32 s6, s0;
	s29 =	sadd.s32 $0x340, s1;
	[dreg:$0x1e] =	wrdreg s26  }
0x1a: {  	s30 =	sadd.s32 $0x400, s0;
	[smem:$0x7FC] =	sst s29  }
0x1b: {  	s6 =	sadd.s32 $0x410, s0;
	[dreg:$0x8] =	wrdreg s30  }
0x1c: {  	s7 =	sadd.s32 $0x420, s0;
	[dreg:$0x9] =	wrdreg s6  }
0x1d: {  	s8 =	sadd.s32 $0x430, s0;
	[dreg:$0xa] =	wrdreg s7  }
0x1e: {  	s9 =	sadd.s32 $0x440, s0;
	[dreg:$0xb] =	wrdreg s8  }
0x1f: {  	s10 =	sadd.s32 $0x450, s0;
	[dreg:$0xc] =	wrdreg s9  }
.Ltmp0:
0x20: {  	s11 =	sadd.s32 $0x460, s0;
	[dreg:$0xd] =	wrdreg s10;
	(pc) =	sbr.rel .LBB2_1-.Ltmp0, $4  }
0x21: {  	s31 =	simm.s32 $0x1;
	s0 =	sadd.s32 $0x470, s0;
	[dreg:$0xe] =	wrdreg s11  }
0x22: {  	s19 =	simm.s32 $0x2;
	s15 =	smax.u32 s4, $0x1;
	[dreg:$0xf] =	wrdreg s0  }
0x23: {  	s20 =	simm.s32 $0x4;
	[dreg:$0x13] =	wrdreg s15;
	s30 =	sadd.s32 $0x3C0, s1  }
0x24: {  	s6 =	simm.s32 $0x3;
	s1 =	simm.s32 $0x0;
	[smem:$0x7FD] =	sst s30  }
.LBB2_12:
0x25: {  	s6 =	simm.s32 $0x3  }
0x26: {  	_ =	swait.ge [sflag:s6], $0x8000  }
0x27: {  	[sflag:s6] =	ssyncset.done $0x0  }
0x28: {  	[sflag:s6] =	ssyncadd.s32 $0xFFFF8000  }
0x29: {  	_ =	swait.ge [sflag:s20], $0x8000  }
0x2a: {  	s1 =	sld [smem:$0x7FB];
	_ =	sdelay $0x2  }
0x2b: {  	s0 =	rddreg [dreg:$0x13];
	s1 =	sadd.s32 $0x1, s1  }
0x2c: {  	p0 =	sne.s32 s1, s0  }
.Ltmp1:
0x2d: {  	_ = 	snop;
	(pc) =	sbr.rel @!p0 .LBB2_13-.Ltmp1, $3  }
0x2e: {  	_ =	sdelay $0x1  }
0x2f: {  	[sflag:s20] =	ssyncset.done $0x0  }
0x30: {  	[sflag:s20] =	ssyncadd.s32 $0xFFFF8000  }
.LBB2_1:
0x31: {  	[smem:$0x7FB] =	sst s1  }
0x32: {  	s0 =	rddreg [dreg:$0x5]  }
0x33: {  	s29 =	simm.s32 $0x8000;
	s4 =	rddreg [dreg:$0x14]  }
0x34: {  	[tilespmem:s29], [sflag:$0x1] =	stream.linear.gather [hbm4b:s0+s3], $0x200, $0x38;
	[tilespmem:$0x1A000] =	vst v63  }
0x35: {  	s5 =	simm.s32 $0x8400;
	s7 =	rddreg [dreg:$0x15]  }
0x36: {  	[tilespmem:s5], [sflag:$0x1] =	stream.linear.gather [hbm4b:s4+s3], $0x200, $0x38;
	[tilespmem:$0x1A000] =	vst v63  }
0x37: {  	s8 =	simm.s32 $0x8800;
	s9 =	rddreg [dreg:$0x16]  }
0x38: {  	[tilespmem:s8], [sflag:$0x1] =	stream.linear.gather [hbm4b:s7+s3], $0x200, $0x38;
	[tilespmem:$0x1A000] =	vst v63  }
0x39: {  	s10 =	simm.s32 $0x8C00;
	s11 =	rddreg [dreg:$0x17]  }
0x3a: {  	[tilespmem:s10], [sflag:$0x1] =	stream.linear.gather [hbm4b:s9+s3], $0x200, $0x38;
	[tilespmem:$0x1A000] =	vst v63  }
0x3b: {  	s12 =	simm.s32 $0x9000;
	s13 =	rddreg [dreg:$0x18]  }
0x3c: {  	[tilespmem:s12], [sflag:$0x1] =	stream.linear.gather [hbm4b:s11+s3], $0x200, $0x38;
	[tilespmem:$0x1A000] =	vst v63  }
0x3d: {  	s14 =	simm.s32 $0x9400;
	s15 =	rddreg [dreg:$0x19]  }
0x3e: {  	[tilespmem:s14], [sflag:$0x1] =	stream.linear.gather [hbm4b:s13+s3], $0x200, $0x38;
	[tilespmem:$0x1A000] =	vst v63  }
0x3f: {  	s16 =	simm.s32 $0x9800;
	s17 =	rddreg [dreg:$0x1a]  }
0x40: {  	[tilespmem:s16], [sflag:$0x1] =	stream.linear.gather [hbm4b:s15+s3], $0x200, $0x38;
	[tilespmem:$0x1A000] =	vst v63  }
0x41: {  	s18 =	simm.s32 $0x9C00;
	s21 =	rddreg [dreg:$0x7]  }
0x42: {  	[tilespmem:s18], [sflag:$0x1] =	stream.linear.gather [hbm4b:s17+s3], $0x200, $0x38;
	[tilespmem:$0x1A000] =	vst v63  }
0x43: {  	s22 =	simm.s32 $0x8200;
	s23 =	rddreg [dreg:$0x1b]  }
0x44: {  	[tilespmem:s22], [sflag:$0x2] =	stream.linear.gather [hbm4b:s21+s3], $0x200, $0x38;
	[tilespmem:$0x1A000] =	vst v63  }
0x45: {  	s24 =	simm.s32 $0x8600;
	s25 =	rddreg [dreg:$0x1c]  }
0x46: {  	[tilespmem:s24], [sflag:$0x2] =	stream.linear.gather [hbm4b:s23+s3], $0x200, $0x38;
	[tilespmem:$0x1A000] =	vst v63  }
0x47: {  	s26 =	simm.s32 $0x8A00;
	s28 =	rddreg [dreg:$0x1d]  }
0x48: {  	[tilespmem:s26], [sflag:$0x2] =	stream.linear.gather [hbm4b:s25+s3], $0x200, $0x38;
	[tilespmem:$0x1A000] =	vst v63  }
0x49: {  	s1 =	rddreg [dreg:$0x1e];
	s29 =	simm.s32 $0x8E00  }
0x4a: {  	[tilespmem:s29], [sflag:$0x2] =	stream.linear.gather [hbm4b:s28+s3], $0x200, $0x38;
	[tilespmem:$0x1A000] =	vst v63  }
0x4b: {  	s4 =	simm.s32 $0x9200;
	s5 =	rddreg [dreg:$0x1f]  }
0x4c: {  	[tilespmem:s4], [sflag:$0x2] =	stream.linear.gather [hbm4b:s1+s3], $0x200, $0x38;
	[tilespmem:$0x1A000] =	vst v63  }
0x4d: {  	s7 =	simm.s32 $0x9600;
	s8 =	sld [smem:$0x7FC]  }
0x4e: {  	[tilespmem:s7], [sflag:$0x2] =	stream.linear.gather [hbm4b:s5+s3], $0x200, $0x38;
	[tilespmem:$0x1A000] =	vst v63  }
0x4f: {  	s9 =	simm.s32 $0x9A00;
	s10 =	sld [smem:$0x7FD]  }
0x50: {  	[tilespmem:s9], [sflag:$0x2] =	stream.linear.gather [hbm4b:s8+s3], $0x200, $0x38;
	[tilespmem:$0x1A000] =	vst v63  }
0x51: {  	s11 =	simm.s32 $0x9E00  }
0x52: {  	[tilespmem:s11], [sflag:$0x2] =	stream.linear.gather [hbm4b:s10+s3], $0x200, $0x38;
	[tilespmem:$0x1A000] =	vst v63  }
0x53: {  	s12 =	rddreg [dreg:$0x8];
	s13 =	simm.s32 $0x80;
	s4 =	simm.s32 $0x400  }
0x54: {  	[tilespmem:s3], [sflag:$0x3] =	stream.strided.gather [hbm4b:s12+s13], $0x1000, s4, s13, $0x38;
	[tilespmem:$0x1A000] =	vst v63  }
0x55: {  	s14 =	rddreg [dreg:$0x9];
	s5 =	simm.s32 $0x1000  }
0x56: {  	[tilespmem:s5], [sflag:$0x3] =	stream.strided.gather [hbm4b:s14+s13], $0x1000, s4, s13, $0x38;
	[tilespmem:$0x1A000] =	vst v63  }
0x57: {  	s15 =	rddreg [dreg:$0xa];
	s16 =	simm.s32 $0x2000  }
0x58: {  	[tilespmem:s16], [sflag:$0x3] =	stream.strided.gather [hbm4b:s15+s13], $0x1000, s4, s13, $0x38;
	[tilespmem:$0x1A000] =	vst v63  }
0x59: {  	s17 =	rddreg [dreg:$0xb];
	s18 =	simm.s32 $0x3000  }
0x5a: {  	[tilespmem:s18], [sflag:$0x3] =	stream.strided.gather [hbm4b:s17+s13], $0x1000, s4, s13, $0x38;
	[tilespmem:$0x1A000] =	vst v63  }
0x5b: {  	s21 =	rddreg [dreg:$0xc];
	s22 =	simm.s32 $0x4000  }
0x5c: {  	[tilespmem:s22], [sflag:$0x3] =	stream.strided.gather [hbm4b:s21+s13], $0x1000, s4, s13, $0x38;
	[tilespmem:$0x1A000] =	vst v63  }
0x5d: {  	s23 =	rddreg [dreg:$0xd];
	s24 =	simm.s32 $0x5000  }
0x5e: {  	[tilespmem:s24], [sflag:$0x3] =	stream.strided.gather [hbm4b:s23+s13], $0x1000, s4, s13, $0x38;
	[tilespmem:$0x1A000] =	vst v63  }
0x5f: {  	s25 =	rddreg [dreg:$0xe];
	s26 =	simm.s32 $0x6000  }
0x60: {  	[tilespmem:s26], [sflag:$0x3] =	stream.strided.gather [hbm4b:s25+s13], $0x1000, s4, s13, $0x38;
	[tilespmem:$0x1A000] =	vst v63  }
0x61: {  	s28 =	rddreg [dreg:$0xf];
	s29 =	simm.s32 $0x7000  }
0x62: {  	[tilespmem:s29], [sflag:$0x3] =	stream.strided.gather [hbm4b:s28+s13], $0x1000, s4, s13, $0x38;
	[tilespmem:$0x1A000] =	vst v63  }
0x63: {  	_ =	swait.ge [sflag:s6], $0x1000  }
0x64: {  	[sflag:s6] =	ssyncset.done $0x0  }
0x65: {  	[sflag:s6] =	ssyncadd.s32 $0xFFFFF000  }
0x66: {  	_ =	swait.ge [sflag:s6], $0x1000  }
0x67: {  	[sflag:s6] =	ssyncset.done $0x0  }
0x68: {  	[sflag:s6] =	ssyncadd.s32 $0xFFFFF000  }
0x69: {  	_ =	swait.ge [sflag:s6], $0x1000  }
0x6a: {  	[sflag:s6] =	ssyncset.done $0x0  }
0x6b: {  	[sflag:s6] =	ssyncadd.s32 $0xFFFFF000  }
0x6c: {  	_ =	swait.ge [sflag:s6], $0x1000  }
0x6d: {  	[sflag:s6] =	ssyncset.done $0x0  }
0x6e: {  	[sflag:s6] =	ssyncadd.s32 $0xFFFFF000  }
0x6f: {  	_ =	swait.ge [sflag:s6], $0x1000  }
0x70: {  	[sflag:s6] =	ssyncset.done $0x0  }
0x71: {  	[sflag:s6] =	ssyncadd.s32 $0xFFFFF000  }
0x72: {  	_ =	swait.ge [sflag:s6], $0x1000  }
0x73: {  	[sflag:s6] =	ssyncset.done $0x0  }
0x74: {  	[sflag:s6] =	ssyncadd.s32 $0xFFFFF000  }
0x75: {  	_ =	swait.ge [sflag:s6], $0x1000  }
0x76: {  	[sflag:s6] =	ssyncset.done $0x0  }
0x77: {  	[sflag:s6] =	ssyncadd.s32 $0xFFFFF000  }
0x78: {  	_ =	swait.ge [sflag:s6], $0x1000  }
0x79: {  	[sflag:s6] =	ssyncset.done $0x0  }
0x7a: {  	s30 =	simm.s32 $0x0;
	[sflag:s6] =	ssyncadd.s32 $0xFFFFF000  }
.LBB2_2:
0x7b: {  	_ =	swait.ge [sflag:s31], $0x1000;
	p0 =	seq.s32 s30, $0x0  }
0x7c: {  	s1 =	simm.s32 $0x0;
	s4 =	simm.s32 $0x0;
	[sflag:s31] =	ssyncset.done $0x0  }
0x7d: {  	s0 =	simm.s32 @!p0 $0x3;
	s7 =	sand.u32 $0x40, s1;
	[sflag:s31] =	ssyncadd.s32 $0xFFFFF000  }
0x7e: {  	s1 =	sand.u32 $0x1C00, s1;
	s5 =	sand.u32 $0xFFFFFF80, s4;
	_ =	swait.ge @!p0 [sflag:s0], $0x8000  }
0x7f: {  	s9 =	sadd.s32 s1, s5;
	s8 =	sor.u32 $0x30, s7;
	[sflag:s0] =	ssyncset.done @!p0 $0x0  }
0x80: {  	s13 =	sor.u32 s8, s9;
	[sflag:s0] =	ssyncadd.s32 @!p0 $0xFFFF8000  }
0x81: {  	s5 =	sor.u32 $0x10, s7;
	s10 =	sor.u32 s7, s9;
	v4 =	vld [tilespmem:s13+$0x8000]  }
0x82: {  	s28 =	sor.u32 $0x20, s7;
	s11 =	sor.u32 s5, s9;
	v2 =	vld [tilespmem:s10+$0x8000]  }
0x83: {  	s12 =	sor.u32 s28, s9;
	v1 =	vld [tilespmem:s11+$0x8000]  }
0x84: {  	v3 =	vld [tilespmem:s12+$0x8000];
	_ =	sdelay $0x4  }
0x85: {  	v0 =	vld.idx.msk [tilespmem:v4+s3+$0x0], $0xffff  }
0x86: {  	v5 =	vadd.s32 $0x1000, v4;
	v6 =	vld.idx.msk [tilespmem:v2+s3+$0x0], $0xffff  }
0x87: {  	v7 =	vadd.s32 $0x1000, v2;
	v8 =	vld.idx.msk [tilespmem:v1+s3+$0x0], $0xffff  }
0x88: {  	v9 =	vadd.s32 $0x1000, v1;
	v10 =	vld.idx.msk [tilespmem:v3+s3+$0x0], $0xffff  }
0x89: {  	v11 =	vadd.s32 $0x1000, v3  }
0x8a: {  	[tilespmem:s13+$0xA000] =	vst v0  }
0x8b: {  	[tilespmem:s10+$0xA000] =	vst v6;
	v0 =	vld.idx.msk [tilespmem:v5+s3+$0x0], $0xffff  }
0x8c: {  	s14 =	sand.u32 $0x3FFFFF80, s4;
	[tilespmem:s11+$0xA000] =	vst v8;
	v5 =	vadd.s32 $0x2000, v4;
	v6 =	vld.idx.msk [tilespmem:v7+s3+$0x0], $0xffff  }
0x8d: {  	s9 =	sadd.s32 s1, s14;
	[tilespmem:s12+$0xA000] =	vst v10;
	v7 =	vadd.s32 $0x2000, v2;
	v8 =	vld.idx.msk [tilespmem:v9+s3+$0x0], $0xffff  }
0x8e: {  	s0 =	sadd.s32 $0xA200, s9;
	v9 =	vadd.s32 $0x2000, v1;
	v10 =	vld.idx.msk [tilespmem:v11+s3+$0x0], $0xffff  }
0x8f: {  	s15 =	sor.u32 s8, s0;
	v11 =	vadd.s32 $0x2000, v3  }
0x90: {  	s16 =	sor.u32 s7, s0;
	[tilespmem:s15+$0x0] =	vst v0  }
0x91: {  	s17 =	sor.u32 s5, s0;
	[tilespmem:s16+$0x0] =	vst v6;
	v0 =	vld.idx.msk [tilespmem:v5+s3+$0x0], $0xffff  }
0x92: {  	s0 =	sor.u32 s28, s0;
	[tilespmem:s17+$0x0] =	vst v8;
	v5 =	vadd.s32 $0x3000, v4;
	v6 =	vld.idx.msk [tilespmem:v7+s3+$0x0], $0xffff  }
0x93: {  	[tilespmem:s0+$0x0] =	vst v10;
	v7 =	vadd.s32 $0x3000, v2;
	v8 =	vld.idx.msk [tilespmem:v9+s3+$0x0], $0xffff  }
0x94: {  	s18 =	sadd.s32 $0xC000, s9;
	v9 =	vadd.s32 $0x3000, v1;
	v10 =	vld.idx.msk [tilespmem:v11+s3+$0x0], $0xffff  }
0x95: {  	s21 =	sor.u32 s8, s18;
	v11 =	vadd.s32 $0x3000, v3  }
0x96: {  	s1 =	simm.s32 $0x200;
	s22 =	sor.u32 s7, s18;
	s23 =	sor.u32 s5, s18;
	[tilespmem:s21+$0x0] =	vst v0  }
0x97: {  	s24 =	sor.u32 s28, s18;
	s10 =	simm.s32 $0x8;
	s0 =	simm.s32 $0x40;
	[tilespmem:s22+$0x0] =	vst v6;
	v5 =	vld.idx.msk [tilespmem:v5+s3+$0x0], $0xffff  }
0x98: {  	s11 =	sand.u32 $0x1C00, s1;
	s25 =	sand.u32 $0xFFFFFF80, s10;
	v6 =	vadd.s32 $0x4000, v4;
	[tilespmem:s23+$0x0] =	vst v8;
	s21 =	sand.u32 $0x40, s0;
	v7 =	vld.idx.msk [tilespmem:v7+s3+$0x0], $0xffff  }
0x99: {  	s4 =	sadd.s32 s11, s25;
	[tilespmem:s24+$0x0] =	vst v10;
	v8 =	vld.idx.msk [tilespmem:v9+s3+$0x0], $0xffff;
	s23 =	sor.u32 $0x30, s21  }
0x9a: {  	s26 =	sadd.s32 $0xC200, s9;
	v9 =	vld.idx.msk [tilespmem:v11+s3+$0x0], $0xffff;
	s22 =	sor.u32 $0x10, s21;
	s13 =	sor.u32 s23, s4  }
0x9b: {  	s14 =	sor.u32 s8, s26;
	v10 =	vadd.s32 $0x4000, v2;
	s15 =	sor.u32 s22, s4;
	v0 =	vld [tilespmem:s13+$0x8000]  }
0x9c: {  	v11 =	vadd.s32 $0x4000, v3;
	v14 =	vld [tilespmem:s15+$0x8000];
	[tilespmem:s14+$0x0] =	vst v5  }
0x9d: {  	s24 =	sor.u32 $0x20, s21;
	v5 =	vadd.s32 $0x4000, v1;
	s14 =	sor.u32 s21, s4;
	v6 =	vld.idx.msk [tilespmem:v6+s3+$0x0], $0xffff  }
0x9e: {  	s16 =	sor.u32 s7, s26;
	s4 =	sor.u32 s24, s4;
	v13 =	vld [tilespmem:s14+$0x8000]  }
0x9f: {  	v12 =	vadd.s32 $0x5000, v4;
	s12 =	sor.u32 s28, s26;
	[tilespmem:s16+$0x0] =	vst v7;
	v23 =	vld [tilespmem:s4+$0x8000]  }
0xa0: {  	s6 =	sor.u32 s5, s26;
	[tilespmem:s12+$0x0] =	vst v9;
	v7 =	vld.idx.msk [tilespmem:v10+s3+$0x0], $0xffff  }
0xa1: {  	s17 =	sadd.s32 $0xE000, s9;
	[tilespmem:s6+$0x0] =	vst v8;
	v8 =	vld.idx.msk [tilespmem:v11+s3+$0x0], $0xffff  }
0xa2: {  	s18 =	sor.u32 s8, s17;
	v5 =	vld.idx.msk [tilespmem:v5+s3+$0x0], $0xffff  }
0xa3: {  	v11 =	vld.idx.msk [tilespmem:v0+s3+$0x0], $0xffff;
	[tilespmem:s18+$0x0] =	vst v6;
	v6 =	vadd.s32 $0x5000, v2  }
0xa4: {  	s25 =	sor.u32 s7, s17;
	v10 =	vadd.s32 $0x5000, v1;
	v9 =	vld.idx.msk [tilespmem:v12+s3+$0x0], $0xffff  }
0xa5: {  	v15 =	vadd.s32 $0x6000, v4;
	[tilespmem:s25+$0x0] =	vst v7;
	v7 =	vld.idx.msk [tilespmem:v14+s3+$0x0], $0xffff  }
0xa6: {  	s16 =	sor.u32 s28, s17;
	v16 =	vadd.s32 $0x1000, v0;
	v12 =	vld.idx.msk [tilespmem:v13+s3+$0x0], $0xffff  }
0xa7: {  	s26 =	sor.u32 s5, s17;
	s12 =	sadd.s32 $0xE200, s9;
	v17 =	vadd.s32 $0x1000, v13;
	[tilespmem:s16+$0x0] =	vst v8;
	v18 =	vld.idx.msk [tilespmem:v23+s3+$0x0], $0xffff  }
0xa8: {  	s6 =	sor.u32 s8, s12;
	[tilespmem:s26+$0x0] =	vst v5;
	v5 =	vadd.s32 $0x1000, v14;
	v6 =	vld.idx.msk [tilespmem:v6+s3+$0x0], $0xffff  }
0xa9: {  	v8 =	vadd.s32 $0x1000, v23;
	[tilespmem:s6+$0x0] =	vst v9;
	v9 =	vld.idx.msk [tilespmem:v10+s3+$0x0], $0xffff  }
0xaa: {  	[tilespmem:s13+$0xA000] =	vst v11;
	v10 =	vadd.s32 $0x5000, v3;
	v11 =	vld.idx.msk [tilespmem:v15+s3+$0x0], $0xffff  }
0xab: {  	v15 =	vadd.s32 $0x6000, v2;
	[tilespmem:s14+$0xA000] =	vst v12;
	v12 =	vld.idx.msk [tilespmem:v16+s3+$0x0], $0xffff  }
0xac: {  	v4 =	vadd.s32 $0x7000, v4;
	[tilespmem:s15+$0xA000] =	vst v7;
	v16 =	vld.idx.msk [tilespmem:v17+s3+$0x0], $0xffff  }
0xad: {  	s10 =	sand.u32 $0x3FFFFF80, s10;
	s15 =	sor.u32 s7, s12;
	v7 =	vadd.s32 $0x2000, v0;
	[tilespmem:s4+$0xA000] =	vst v18;
	v5 =	vld.idx.msk [tilespmem:v5+s3+$0x0], $0xffff  }
0xae: {  	s16 =	sor.u32 s5, s12;
	s25 =	sadd.s32 s11, s10;
	s10 =	sadd.s32 $0x10000, s9;
	v17 =	vadd.s32 $0x2000, v13;
	v8 =	vld.idx.msk [tilespmem:v8+s3+$0x0], $0xffff;
	[tilespmem:s15+$0x0] =	vst v6  }
0xaf: {  	s11 =	sadd.s32 $0xA200, s25;
	s17 =	sor.u32 s8, s10;
	v6 =	vadd.s32 $0x2000, v14;
	[tilespmem:s16+$0x0] =	vst v9;
	v9 =	vld.idx.msk [tilespmem:v10+s3+$0x0], $0xffff  }
0xb0: {  	s18 =	sor.u32 s23, s11;
	v10 =	vadd.s32 $0x2000, v23;
	v18 =	vld.idx.msk [tilespmem:v15+s3+$0x0], $0xffff;
	[tilespmem:s17+$0x0] =	vst v11  }
0xb1: {  	s26 =	sor.u32 s21, s11;
	v11 =	vadd.s32 $0x6000, v1;
	[tilespmem:s18+$0x0] =	vst v12;
	v19 =	vld.idx.msk [tilespmem:v4+s3+$0x0], $0xffff  }
0xb2: {  	v24 =	vadd.s32 $0x6000, v3;
	s6 =	sor.u32 s22, s11;
	[tilespmem:s26+$0x0] =	vst v16;
	v7 =	vld.idx.msk [tilespmem:v7+s3+$0x0], $0xffff  }
0xb3: {  	v25 =	vadd.s32 $0x7000, v2;
	s9 =	sadd.s32 $0x10200, s9;
	s11 =	sor.u32 s24, s11;
	[tilespmem:s6+$0x0] =	vst v5;
	v26 =	vld.idx.msk [tilespmem:v17+s3+$0x0], $0xffff  }
0xb4: {  	v27 =	vadd.s32 $0x3000, v0;
	s8 =	sor.u32 s8, s9;
	s29 =	sor.u32 s28, s9;
	s12 =	sor.u32 s28, s12;
	v2 =	vadd.s32 $0x7000, v1;
	v1 =	vadd.s32 $0x7000, v3;
	[tilespmem:s11+$0x0] =	vst v8;
	v21 =	vld.idx.msk [tilespmem:v6+s3+$0x0], $0xffff  }
0xb5: {  	s14 =	sor.u32 s7, s10;
	s15 =	sadd.s32 $0xC000, s25;
	v15 =	vadd.s32 $0x3000, v23;
	v3 =	vadd.s32 $0x7000, v13;
	v16 =	vadd.s32 $0x3000, v13;
	s4 =	rddreg [dreg:$0x6];
	v22 =	vld.idx.msk [tilespmem:v10+s3+$0x0], $0xffff;
	[tilespmem:s12+$0x0] =	vst v9  }
0xb6: {  	s13 =	sshll.u32 s30, $0xD;
	s16 =	sshll.u32 s30, $0xA;
	s17 =	sor.u32 s23, s15;
	v12 =	vadd.s32 $0x4000, v13;
	v4 =	vadd.s32 $0x6000, v13;
	v17 =	vadd.s32 $0x3000, v14;
	[tilespmem:s14+$0x0] =	vst v18;
	v20 =	vld.idx.msk [tilespmem:v11+s3+$0x0], $0xffff  }
0xb7: {  	s18 =	sor.u32 s21, s15;
	v8 =	vadd.s32 $0x5000, v14;
	s11 =	sor.u32 s28, s10;
	v5 =	vadd.s32 $0x6000, v14;
	v6 =	vadd.s32 $0x5000, v13;
	s26 =	sadd.s32 s4, s13;
	v18 =	vld.idx.msk [tilespmem:v24+s3+$0x0], $0xffff;
	[tilespmem:s8+$0x0] =	vst v19  }
0xb8: {  	v13 =	vadd.s32 $0x7000, v23;
	v10 =	vadd.s32 $0x4000, v14;
	s12 =	sor.u32 s5, s10;
	s13 =	sor.u32 s7, s9;
	v9 =	vadd.s32 $0x5000, v23;
	s10 =	sor.u32 s5, s9;
	v19 =	vld.idx.msk [tilespmem:v25+s3+$0x0], $0xffff;
	[tilespmem:s17+$0x0] =	vst v7  }
0xb9: {  	s5 =	simm.s32 $0x4;
	v14 =	vadd.s32 $0x7000, v14;
	s4 =	sor.u32 s24, s15;
	v11 =	vadd.s32 $0x4000, v23;
	s14 =	sor.u32 s22, s15;
	v7 =	vadd.s32 $0x6000, v23;
	[tilespmem:s18+$0x0] =	vst v26;
	v23 =	vld.idx.msk [tilespmem:v27+s3+$0x0], $0xffff  }
.LBB2_3:
0xba: {  	s5 =	sadd.s32 $0x4, s5;
	v16 =	vld.idx.msk [tilespmem:v16+s3+$0x0], $0xffff;
	[tilespmem:s14+$0x0] =	vst v21;
	s7 =	smov.u32 s24  }
0xbb: {  	v21 =	vadd.s32 $0x4000, v0;
	s0 =	sadd.s32 $0x40, s0;
	s1 =	sadd.s32 $0x200, s1;
	s14 =	sshll.u32 s5, $0x1;
	v17 =	vld.idx.msk [tilespmem:v17+s3+$0x0], $0xffff;
	[tilespmem:s4+$0x0] =	vst v22  }
0xbc: {  	s8 =	sand.u32 $0x40, s0;
	s15 =	sand.u32 $0x1C00, s1;
	s4 =	sand.u32 $0xFFFFFF80, s14;
	v15 =	vld.idx.msk [tilespmem:v15+s3+$0x0], $0xffff;
	[tilespmem:s12+$0x0] =	vst v20  }
0xbd: {  	s6 =	sadd.s32 $0xC200, s25;
	s9 =	sor.u32 $0x30, s8;
	s4 =	sadd.s32 s15, s4;
	v20 =	vld.idx.msk [tilespmem:v2+s3+$0x0], $0xffff;
	[tilespmem:s11+$0x0] =	vst v18;
	v2 =	vmov v14  }
0xbe: {  	s28 =	sor.u32 $0x10, s8;
	s11 =	sor.u32 s23, s6;
	s18 =	sor.u32 s9, s4;
	[tilespmem:s13+$0x0] =	vst v19;
	v14 =	vld.idx.msk [tilespmem:v1+s3+$0x0], $0xffff;
	v1 =	vmov v13  }
0xbf: {  	s24 =	sor.u32 $0x20, s8;
	s13 =	sor.u32 s8, s4;
	s12 =	sor.u32 s28, s4;
	v18 =	vld [tilespmem:s18+$0x8000];
	[tilespmem:s11+$0x0] =	vst v23  }
0xc0: {  	s17 =	sor.u32 s22, s6;
	s11 =	sor.u32 s24, s4;
	s4 =	sor.u32 s21, s6;
	v13 =	vld.idx.msk [tilespmem:v21+s3+$0x0], $0xffff  }
0xc1: {  	p1 =	slt.u32 s5, $0xFC;
	v19 =	vld [tilespmem:s13+$0x8000];
	[tilespmem:s4+$0x0] =	vst v16;
	s4 =	sor.u32 s7, s6  }
0xc2: {  	v22 =	vadd.s32 $0x5000, v0;
	v21 =	vld [tilespmem:s12+$0x8000];
	[tilespmem:s17+$0x0] =	vst v17  }
0xc3: {  	v23 =	vld [tilespmem:s11+$0x8000];
	[tilespmem:s4+$0x0] =	vst v15  }
0xc4: {  	s4 =	sadd.s32 $0xE000, s25;
	v24 =	vld.idx.msk [tilespmem:v12+s3+$0x0], $0xffff;
	[tilespmem:s10+$0x0] =	vst v20  }
0xc5: {  	s6 =	sor.u32 s21, s4;
	s10 =	sor.u32 s22, s4;
	s17 =	sor.u32 s23, s4;
	v20 =	vld.idx.msk [tilespmem:v10+s3+$0x0], $0xffff;
	[tilespmem:s29+$0x0] =	vst v14  }
0xc6: {  	s4 =	sor.u32 s7, s4;
	v25 =	vadd.s32 $0x1000, v19;
	v26 =	vadd.s32 $0x2000, v19;
	v16 =	vadd.s32 $0x3000, v19;
	v14 =	vld.idx.msk [tilespmem:v11+s3+$0x0], $0xffff;
	[tilespmem:s17+$0x0] =	vst v13  }
0xc7: {  	v27 =	vadd.s32 $0x1000, v21;
	v28 =	vadd.s32 $0x2000, v21;
	v17 =	vadd.s32 $0x3000, v21;
	v22 =	vld.idx.msk [tilespmem:v22+s3+$0x0], $0xffff  }
0xc8: {  	v29 =	vadd.s32 $0x1000, v23;
	v30 =	vadd.s32 $0x2000, v23;
	v15 =	vadd.s32 $0x3000, v23;
	v31 =	vld.idx.msk [tilespmem:v18+s3+$0x0], $0xffff  }
0xc9: {  	v33 =	vadd.s32 $0x6000, v0;
	v12 =	vadd.s32 $0x4000, v19;
	v10 =	vadd.s32 $0x4000, v21;
	v32 =	vld.idx.msk [tilespmem:v19+s3+$0x0], $0xffff  }
0xca: {  	v35 =	vadd.s32 $0x1000, v18;
	v13 =	vadd.s32 $0x5000, v19;
	v11 =	vadd.s32 $0x4000, v23;
	v34 =	vld.idx.msk [tilespmem:v21+s3+$0x0], $0xffff;
	[tilespmem:s6+$0x0] =	vst v24  }
0xcb: {  	v36 =	vadd.s32 $0x5000, v21;
	v38 =	vadd.s32 $0x5000, v23;
	v24 =	vadd.s32 $0x6000, v19;
	s6 =	sadd.s32 $0xE200, s25;
	v37 =	vld.idx.msk [tilespmem:v23+s3+$0x0], $0xffff;
	[tilespmem:s10+$0x0] =	vst v20  }
0xcc: {  	v39 =	vadd.s32 $0x7000, v19;
	v40 =	vadd.s32 $0x6000, v23;
	v19 =	vadd.s32 $0x6000, v21;
	s10 =	sor.u32 s21, s6;
	s17 =	sor.u32 s22, s6;
	v20 =	vld.idx.msk [tilespmem:v6+s3+$0x0], $0xffff;
	[tilespmem:s4+$0x0] =	vst v14;
	s4 =	sor.u32 s23, s6;
	v6 =	vmovc v13  }
0xcd: {  	v14 =	vadd.s32 $0x7000, v21;
	v13 =	vadd.s32 $0x7000, v23;
	s6 =	sor.u32 s7, s6;
	v21 =	vld.idx.msk [tilespmem:v8+s3+$0x0], $0xffff;
	[tilespmem:s4+$0x0] =	vst v22;
	v8 =	vmov v36  }
0xce: {  	[tilespmem:s18+$0xA000] =	vst v31;
	v22 =	vld.idx.msk [tilespmem:v33+s3+$0x0], $0xffff  }
0xcf: {  	[tilespmem:s13+$0xA000] =	vst v32;
	v23 =	vld.idx.msk [tilespmem:v35+s3+$0x0], $0xffff  }
0xd0: {  	v31 =	vadd.s32 $0x7000, v0;
	v0 =	vmov v18;
	v25 =	vld.idx.msk [tilespmem:v25+s3+$0x0], $0xffff;
	[tilespmem:s12+$0xA000] =	vst v34  }
0xd1: {  	s4 =	sand.u32 $0x3FFFFF80, s14;
	v18 =	vld.idx.msk [tilespmem:v27+s3+$0x0], $0xffff;
	[tilespmem:s11+$0xA000] =	vst v37;
	v27 =	vadd.s32 $0x2000, v0  }
0xd2: {  	s4 =	sadd.s32 s15, s4;
	v29 =	vld.idx.msk [tilespmem:v29+s3+$0x0], $0xffff;
	[tilespmem:s10+$0x0] =	vst v20;
	s10 =	sadd.s32 $0x10000, s25  }
0xd3: {  	s11 =	sadd.s32 $0xA200, s4;
	s13 =	sor.u32 s21, s10;
	[tilespmem:s17+$0x0] =	vst v21;
	v20 =	vld.idx.msk [tilespmem:v9+s3+$0x0], $0xffff;
	s12 =	sor.u32 s23, s10;
	v9 =	vmov v38  }
0xd4: {  	s14 =	sor.u32 s8, s11;
	s15 =	sor.u32 s28, s11;
	s17 =	sor.u32 s9, s11;
	v32 =	vld.idx.msk [tilespmem:v4+s3+$0x0], $0xffff;
	[tilespmem:s12+$0x0] =	vst v22;
	v4 =	vmov v24  }
0xd5: {  	s18 =	sor.u32 s24, s11;
	s11 =	sor.u32 s7, s10;
	s12 =	sor.u32 s22, s10;
	[tilespmem:s17+$0x0] =	vst v23;
	v23 =	vld.idx.msk [tilespmem:v31+s3+$0x0], $0xffff  }
0xd6: {  	[tilespmem:s14+$0x0] =	vst v25;
	v24 =	vld.idx.msk [tilespmem:v27+s3+$0x0], $0xffff  }
0xd7: {  	v25 =	vld.idx.msk [tilespmem:v26+s3+$0x0], $0xffff;
	[tilespmem:s15+$0x0] =	vst v18  }
0xd8: {  	v26 =	vadd.s32 $0x3000, v0;
	v21 =	vld.idx.msk [tilespmem:v28+s3+$0x0], $0xffff;
	[tilespmem:s18+$0x0] =	vst v29  }
.Ltmp2:
0xd9: {  	s15 =	sadd.s32 $0x10200, s25;
	s25 =	smov.u32 s4;
	v22 =	vld.idx.msk [tilespmem:v30+s3+$0x0], $0xffff;
	[tilespmem:s6+$0x0] =	vst v20;
	(pc) =	sbr.rel @p1 .LBB2_3-.Ltmp2, $4  }
0xda: {  	s4 =	sadd.s32 $0xC000, s25;
	s6 =	sor.u32 s23, s15;
	[tilespmem:s13+$0x0] =	vst v32;
	s13 =	sor.u32 s21, s15;
	v20 =	vld.idx.msk [tilespmem:v5+s3+$0x0], $0xffff;
	v5 =	vmov v19  }
0xdb: {  	s17 =	sor.u32 s8, s4;
	s14 =	sor.u32 s28, s4;
	s10 =	sor.u32 s9, s4;
	v18 =	vld.idx.msk [tilespmem:v7+s3+$0x0], $0xffff;
	[tilespmem:s6+$0x0] =	vst v23;
	v7 =	vmov v40  }
0xdc: {  	s29 =	sor.u32 s7, s15;
	s4 =	sor.u32 s24, s4;
	[tilespmem:s10+$0x0] =	vst v24;
	v19 =	vld.idx.msk [tilespmem:v3+s3+$0x0], $0xffff;
	s10 =	sor.u32 s22, s15;
	v3 =	vmov v39  }
0xdd: {  	s23 =	smov.u32 s9;
	s21 =	smov.u32 s8;
	s22 =	smov.u32 s28;
	[tilespmem:s17+$0x0] =	vst v25;
	v23 =	vld.idx.msk [tilespmem:v26+s3+$0x0], $0xffff  }
0xde: {  	_ =	sdelay $0x3  }
0xdf: {  	v16 =	vld.idx.msk [tilespmem:v16+s3+$0x0], $0xffff;
	v55 =	vadd.s32 $0x4000, v0;
	_ =	sdelay $0x1  }
0xe0: {  	[tilespmem:s14+$0x0] =	vst v21;
	s0 =	sadd.s32 $0xC200, s25  }
0xe1: {  	[tilespmem:s4+$0x0] =	vst v22;
	v17 =	vld.idx.msk [tilespmem:v17+s3+$0x0], $0xffff;
	s1 =	sor.u32 s23, s0  }
0xe2: {  	v15 =	vld.idx.msk [tilespmem:v15+s3+$0x0], $0xffff;
	s17 =	sor.u32 s21, s0;
	[tilespmem:s1+$0x0] =	vst v23  }
0xe3: {  	[tilespmem:s17+$0x0] =	vst v16;
	v56 =	vld.idx.msk [tilespmem:v55+s3+$0x0], $0xffff  }
0xe4: {  	v57 =	vadd.s32 $0x5000, v0;
	v12 =	vld.idx.msk [tilespmem:v12+s3+$0x0], $0xffff  }
0xe5: {  	s18 =	sor.u32 s22, s0  }
0xe6: {  	s28 =	sadd.s32 $0xE000, s25;
	s0 =	sor.u32 s24, s0;
	[tilespmem:s18+$0x0] =	vst v17  }
0xe7: {  	s4 =	sor.u32 s23, s28;
	[tilespmem:s0+$0x0] =	vst v15;
	v10 =	vld.idx.msk [tilespmem:v10+s3+$0x0], $0xffff  }
0xe8: {  	s5 =	sor.u32 s21, s28;
	v11 =	vld.idx.msk [tilespmem:v11+s3+$0x0], $0xffff;
	[tilespmem:s4+$0x0] =	vst v56  }
0xe9: {  	[tilespmem:s5+$0x0] =	vst v12;
	v58 =	vld.idx.msk [tilespmem:v57+s3+$0x0], $0xffff  }
0xea: {  	v59 =	vadd.s32 $0x6000, v0;
	v6 =	vld.idx.msk [tilespmem:v6+s3+$0x0], $0xffff  }
0xeb: {  	s6 =	sor.u32 s22, s28;
	[tilespmem:s12+$0x0] =	vst v20  }
0xec: {  	s7 =	sadd.s32 $0xE200, s25;
	s0 =	sor.u32 s24, s28;
	[tilespmem:s6+$0x0] =	vst v10  }
0xed: {  	s8 =	sor.u32 s23, s7;
	[tilespmem:s0+$0x0] =	vst v11;
	v8 =	vld.idx.msk [tilespmem:v8+s3+$0x0], $0xffff  }
0xee: {  	s9 =	sor.u32 s21, s7;
	v9 =	vld.idx.msk [tilespmem:v9+s3+$0x0], $0xffff;
	[tilespmem:s8+$0x0] =	vst v58  }
0xef: {  	[tilespmem:s9+$0x0] =	vst v6;
	v60 =	vld.idx.msk [tilespmem:v59+s3+$0x0], $0xffff  }
0xf0: {  	v61 =	vadd.s32 $0x7000, v0;
	[tilespmem:s11+$0x0] =	vst v18;
	v4 =	vld.idx.msk [tilespmem:v4+s3+$0x0], $0xffff  }
0xf1: {  	s12 =	sor.u32 s22, s7;
	v2 =	vld.idx.msk [tilespmem:v2+s3+$0x0], $0xffff;
	[tilespmem:s13+$0x0] =	vst v19  }
0xf2: {  	s14 =	sadd.s32 $0x10000, s25;
	v1 =	vld.idx.msk [tilespmem:v1+s3+$0x0], $0xffff;
	s0 =	sor.u32 s24, s7;
	[tilespmem:s12+$0x0] =	vst v8  }
0xf3: {  	s15 =	sor.u32 s23, s14;
	[tilespmem:s0+$0x0] =	vst v9;
	v5 =	vld.idx.msk [tilespmem:v5+s3+$0x0], $0xffff  }
0xf4: {  	s17 =	sor.u32 s21, s14;
	v7 =	vld.idx.msk [tilespmem:v7+s3+$0x0], $0xffff;
	[tilespmem:s15+$0x0] =	vst v60  }
0xf5: {  	[tilespmem:s17+$0x0] =	vst v4;
	v0 =	vld.idx.msk [tilespmem:v61+s3+$0x0], $0xffff  }
0xf6: {  	[tilespmem:s10+$0x0] =	vst v2;
	v3 =	vld.idx.msk [tilespmem:v3+s3+$0x0], $0xffff  }
0xf7: {  	s18 =	sor.u32 s22, s14;
	[tilespmem:s29+$0x0] =	vst v1  }
0xf8: {  	s28 =	sadd.s32 $0x10200, s25;
	s0 =	sor.u32 s24, s14;
	[tilespmem:s18+$0x0] =	vst v5  }
0xf9: {  	s5 =	sor.u32 s23, s28;
	[tilespmem:s0+$0x0] =	vst v7;
	v62 =	vld.idx.msk [tilespmem:v14+s3+$0x0], $0xffff  }
0xfa: {  	s6 =	sor.u32 s21, s28;
	v63 =	vld.idx.msk [tilespmem:v13+s3+$0x0], $0xffff;
	[tilespmem:s5+$0x0] =	vst v0  }
0xfb: {  	[tilespmem:s6+$0x0] =	vst v3  }
0xfc: {  	s4 =	rddreg [dreg:$0x4]  }
0xfd: {  	s7 =	sor.u32 s22, s28;
	s4 =	sor.u32 s4, s26  }
0xfe: {  	s0 =	sor.u32 s24, s28;
	[tilespmem:s7+$0x0] =	vst v62;
	s21 =	sshrl.u32 s4, $0x3  }
0xff: {  	s9 =	simm.s32 $0xA000;
	[tilespmem:s0+$0x0] =	vst v63;
	s8 =	sadd.s32 s2, s21  }
0x100: {  	[hbm4b:s8+s3] =	stream.linear.scatter [tilespmem:s9], [sflag:$0x3], $0x200, $0x38;
	[tilespmem:$0x1A000] =	vst v63  }
0x101: {  	s11 =	simm.s32 $0xA400;
	s10 =	sadd.s32 $0x80, s8  }
0x102: {  	[hbm4b:s10+s3] =	stream.linear.scatter [tilespmem:s11], [sflag:$0x3], $0x200, $0x38;
	[tilespmem:$0x1A000] =	vst v63  }
0x103: {  	s13 =	simm.s32 $0xA800;
	s12 =	sadd.s32 $0x100, s8  }
0x104: {  	[hbm4b:s12+s3] =	stream.linear.scatter [tilespmem:s13], [sflag:$0x3], $0x200, $0x38;
	[tilespmem:$0x1A000] =	vst v63  }
0x105: {  	s15 =	simm.s32 $0xAC00;
	s14 =	sadd.s32 $0x180, s8  }
0x106: {  	[hbm4b:s14+s3] =	stream.linear.scatter [tilespmem:s15], [sflag:$0x3], $0x200, $0x38;
	[tilespmem:$0x1A000] =	vst v63  }
0x107: {  	s18 =	simm.s32 $0xB000;
	s17 =	sadd.s32 $0x200, s8  }
0x108: {  	[hbm4b:s17+s3] =	stream.linear.scatter [tilespmem:s18], [sflag:$0x3], $0x200, $0x38;
	[tilespmem:$0x1A000] =	vst v63  }
0x109: {  	s23 =	simm.s32 $0xB400;
	s22 =	sadd.s32 $0x280, s8  }
0x10a: {  	[hbm4b:s22+s3] =	stream.linear.scatter [tilespmem:s23], [sflag:$0x3], $0x200, $0x38;
	[tilespmem:$0x1A000] =	vst v63  }
0x10b: {  	s25 =	simm.s32 $0xB800;
	s24 =	sadd.s32 $0x300, s8  }
0x10c: {  	[hbm4b:s24+s3] =	stream.linear.scatter [tilespmem:s25], [sflag:$0x3], $0x200, $0x38;
	[tilespmem:$0x1A000] =	vst v63  }
0x10d: {  	s26 =	simm.s32 $0xBC00;
	s28 =	sor.u32 $0x20000, s21;
	s0 =	sadd.s32 $0x380, s8  }
0x10e: {  	[hbm4b:s0+s3] =	stream.linear.scatter [tilespmem:s26], [sflag:$0x3], $0x200, $0x38;
	[tilespmem:$0x1A000] =	vst v63  }
0x10f: {  	s29 =	simm.s32 $0xA200;
	s0 =	sadd.s32 s2, s28  }
0x110: {  	[hbm4b:s0+s3] =	stream.linear.scatter [tilespmem:s29], [sflag:$0x3], $0x200, $0x38;
	[tilespmem:$0x1A000] =	vst v63  }
0x111: {  	s5 =	simm.s32 $0xA600;
	s4 =	sadd.s32 $0x80, s0  }
0x112: {  	[hbm4b:s4+s3] =	stream.linear.scatter [tilespmem:s5], [sflag:$0x3], $0x200, $0x38;
	[tilespmem:$0x1A000] =	vst v63  }
0x113: {  	s7 =	simm.s32 $0xAA00;
	s6 =	sadd.s32 $0x100, s0  }
0x114: {  	[hbm4b:s6+s3] =	stream.linear.scatter [tilespmem:s7], [sflag:$0x3], $0x200, $0x38;
	[tilespmem:$0x1A000] =	vst v63  }
0x115: {  	s9 =	simm.s32 $0xAE00;
	s8 =	sadd.s32 $0x180, s0  }
0x116: {  	[hbm4b:s8+s3] =	stream.linear.scatter [tilespmem:s9], [sflag:$0x3], $0x200, $0x38;
	[tilespmem:$0x1A000] =	vst v63  }
0x117: {  	s11 =	simm.s32 $0xB200;
	s10 =	sadd.s32 $0x200, s0  }
0x118: {  	[hbm4b:s10+s3] =	stream.linear.scatter [tilespmem:s11], [sflag:$0x3], $0x200, $0x38;
	[tilespmem:$0x1A000] =	vst v63  }
0x119: {  	s13 =	simm.s32 $0xB600;
	s12 =	sadd.s32 $0x280, s0  }
0x11a: {  	[hbm4b:s12+s3] =	stream.linear.scatter [tilespmem:s13], [sflag:$0x3], $0x200, $0x38;
	[tilespmem:$0x1A000] =	vst v63  }
0x11b: {  	s15 =	simm.s32 $0xBA00;
	s14 =	sadd.s32 $0x300, s0  }
0x11c: {  	[hbm4b:s14+s3] =	stream.linear.scatter [tilespmem:s15], [sflag:$0x3], $0x200, $0x38;
	[tilespmem:$0x1A000] =	vst v63  }
0x11d: {  	s17 =	simm.s32 $0xBE00;
	s18 =	sor.u32 $0x40000, s21;
	s0 =	sadd.s32 $0x380, s0  }
0x11e: {  	[hbm4b:s0+s3] =	stream.linear.scatter [tilespmem:s17], [sflag:$0x3], $0x200, $0x38;
	[tilespmem:$0x1A000] =	vst v63  }
0x11f: {  	s22 =	simm.s32 $0xC000;
	s0 =	sadd.s32 s2, s18  }
0x120: {  	[hbm4b:s0+s3] =	stream.linear.scatter [tilespmem:s22], [sflag:$0x3], $0x200, $0x38;
	[tilespmem:$0x1A000] =	vst v63  }
0x121: {  	s24 =	simm.s32 $0xC400;
	s23 =	sadd.s32 $0x80, s0  }
0x122: {  	[hbm4b:s23+s3] =	stream.linear.scatter [tilespmem:s24], [sflag:$0x3], $0x200, $0x38;
	[tilespmem:$0x1A000] =	vst v63  }
0x123: {  	s26 =	simm.s32 $0xC800;
	s25 =	sadd.s32 $0x100, s0  }
0x124: {  	[hbm4b:s25+s3] =	stream.linear.scatter [tilespmem:s26], [sflag:$0x3], $0x200, $0x38;
	[tilespmem:$0x1A000] =	vst v63  }
0x125: {  	s29 =	simm.s32 $0xCC00;
	s28 =	sadd.s32 $0x180, s0  }
0x126: {  	[hbm4b:s28+s3] =	stream.linear.scatter [tilespmem:s29], [sflag:$0x3], $0x200, $0x38;
	[tilespmem:$0x1A000] =	vst v63  }
0x127: {  	s5 =	simm.s32 $0xD000;
	s4 =	sadd.s32 $0x200, s0  }
0x128: {  	[hbm4b:s4+s3] =	stream.linear.scatter [tilespmem:s5], [sflag:$0x3], $0x200, $0x38;
	[tilespmem:$0x1A000] =	vst v63  }
0x129: {  	s7 =	simm.s32 $0xD400;
	s6 =	sadd.s32 $0x280, s0  }
0x12a: {  	[hbm4b:s6+s3] =	stream.linear.scatter [tilespmem:s7], [sflag:$0x3], $0x200, $0x38;
	[tilespmem:$0x1A000] =	vst v63  }
0x12b: {  	s9 =	simm.s32 $0xD800;
	s8 =	sadd.s32 $0x300, s0  }
0x12c: {  	[hbm4b:s8+s3] =	stream.linear.scatter [tilespmem:s9], [sflag:$0x3], $0x200, $0x38;
	[tilespmem:$0x1A000] =	vst v63  }
0x12d: {  	s10 =	simm.s32 $0xDC00;
	s11 =	sor.u32 $0x60000, s21;
	s0 =	sadd.s32 $0x380, s0  }
0x12e: {  	[hbm4b:s0+s3] =	stream.linear.scatter [tilespmem:s10], [sflag:$0x3], $0x200, $0x38;
	[tilespmem:$0x1A000] =	vst v63  }
0x12f: {  	s12 =	simm.s32 $0xC200;
	s0 =	sadd.s32 s2, s11  }
0x130: {  	[hbm4b:s0+s3] =	stream.linear.scatter [tilespmem:s12], [sflag:$0x3], $0x200, $0x38;
	[tilespmem:$0x1A000] =	vst v63  }
0x131: {  	s14 =	simm.s32 $0xC600;
	s13 =	sadd.s32 $0x80, s0  }
0x132: {  	[hbm4b:s13+s3] =	stream.linear.scatter [tilespmem:s14], [sflag:$0x3], $0x200, $0x38;
	[tilespmem:$0x1A000] =	vst v63  }
0x133: {  	s17 =	simm.s32 $0xCA00;
	s15 =	sadd.s32 $0x100, s0  }
0x134: {  	[hbm4b:s15+s3] =	stream.linear.scatter [tilespmem:s17], [sflag:$0x3], $0x200, $0x38;
	[tilespmem:$0x1A000] =	vst v63  }
0x135: {  	s22 =	simm.s32 $0xCE00;
	s18 =	sadd.s32 $0x180, s0  }
0x136: {  	[hbm4b:s18+s3] =	stream.linear.scatter [tilespmem:s22], [sflag:$0x3], $0x200, $0x38;
	[tilespmem:$0x1A000] =	vst v63  }
0x137: {  	s24 =	simm.s32 $0xD200;
	s23 =	sadd.s32 $0x200, s0  }
0x138: {  	[hbm4b:s23+s3] =	stream.linear.scatter [tilespmem:s24], [sflag:$0x3], $0x200, $0x38;
	[tilespmem:$0x1A000] =	vst v63  }
0x139: {  	s26 =	simm.s32 $0xD600;
	s25 =	sadd.s32 $0x280, s0  }
0x13a: {  	[hbm4b:s25+s3] =	stream.linear.scatter [tilespmem:s26], [sflag:$0x3], $0x200, $0x38;
	[tilespmem:$0x1A000] =	vst v63  }
0x13b: {  	s29 =	simm.s32 $0xDA00;
	s28 =	sadd.s32 $0x300, s0  }
0x13c: {  	[hbm4b:s28+s3] =	stream.linear.scatter [tilespmem:s29], [sflag:$0x3], $0x200, $0x38;
	[tilespmem:$0x1A000] =	vst v63  }
0x13d: {  	s5 =	simm.s32 $0xDE00;
	s6 =	sor.u32 $0x80000, s21;
	s0 =	sadd.s32 $0x380, s0  }
0x13e: {  	[hbm4b:s0+s3] =	stream.linear.scatter [tilespmem:s5], [sflag:$0x3], $0x200, $0x38;
	[tilespmem:$0x1A000] =	vst v63  }
0x13f: {  	s7 =	simm.s32 $0xE000;
	s0 =	sadd.s32 s2, s6  }
0x140: {  	[hbm4b:s0+s3] =	stream.linear.scatter [tilespmem:s7], [sflag:$0x3], $0x200, $0x38;
	[tilespmem:$0x1A000] =	vst v63  }
0x141: {  	s9 =	simm.s32 $0xE400;
	s8 =	sadd.s32 $0x80, s0  }
0x142: {  	[hbm4b:s8+s3] =	stream.linear.scatter [tilespmem:s9], [sflag:$0x3], $0x200, $0x38;
	[tilespmem:$0x1A000] =	vst v63  }
0x143: {  	s11 =	simm.s32 $0xE800;
	s10 =	sadd.s32 $0x100, s0  }
0x144: {  	[hbm4b:s10+s3] =	stream.linear.scatter [tilespmem:s11], [sflag:$0x3], $0x200, $0x38;
	[tilespmem:$0x1A000] =	vst v63  }
0x145: {  	s13 =	simm.s32 $0xEC00;
	s12 =	sadd.s32 $0x180, s0  }
0x146: {  	[hbm4b:s12+s3] =	stream.linear.scatter [tilespmem:s13], [sflag:$0x3], $0x200, $0x38;
	[tilespmem:$0x1A000] =	vst v63  }
0x147: {  	s15 =	simm.s32 $0xF000;
	s14 =	sadd.s32 $0x200, s0  }
0x148: {  	[hbm4b:s14+s3] =	stream.linear.scatter [tilespmem:s15], [sflag:$0x3], $0x200, $0x38;
	[tilespmem:$0x1A000] =	vst v63  }
0x149: {  	s18 =	simm.s32 $0xF400;
	s17 =	sadd.s32 $0x280, s0  }
0x14a: {  	[hbm4b:s17+s3] =	stream.linear.scatter [tilespmem:s18], [sflag:$0x3], $0x200, $0x38;
	[tilespmem:$0x1A000] =	vst v63  }
0x14b: {  	s23 =	simm.s32 $0xF800;
	s22 =	sadd.s32 $0x300, s0  }
0x14c: {  	[hbm4b:s22+s3] =	stream.linear.scatter [tilespmem:s23], [sflag:$0x3], $0x200, $0x38;
	[tilespmem:$0x1A000] =	vst v63  }
0x14d: {  	s24 =	simm.s32 $0xFC00;
	s25 =	sor.u32 $0xA0000, s21;
	s0 =	sadd.s32 $0x380, s0  }
0x14e: {  	[hbm4b:s0+s3] =	stream.linear.scatter [tilespmem:s24], [sflag:$0x3], $0x200, $0x38;
	[tilespmem:$0x1A000] =	vst v63  }
0x14f: {  	s26 =	simm.s32 $0xE200;
	s0 =	sadd.s32 s2, s25  }
0x150: {  	[hbm4b:s0+s3] =	stream.linear.scatter [tilespmem:s26], [sflag:$0x3], $0x200, $0x38;
	[tilespmem:$0x1A000] =	vst v63  }
0x151: {  	s29 =	simm.s32 $0xE600;
	s28 =	sadd.s32 $0x80, s0  }
0x152: {  	[hbm4b:s28+s3] =	stream.linear.scatter [tilespmem:s29], [sflag:$0x3], $0x200, $0x38;
	[tilespmem:$0x1A000] =	vst v63  }
0x153: {  	s5 =	simm.s32 $0xEA00;
	s4 =	sadd.s32 $0x100, s0  }
0x154: {  	[hbm4b:s4+s3] =	stream.linear.scatter [tilespmem:s5], [sflag:$0x3], $0x200, $0x38;
	[tilespmem:$0x1A000] =	vst v63  }
0x155: {  	s7 =	simm.s32 $0xEE00;
	s6 =	sadd.s32 $0x180, s0  }
0x156: {  	[hbm4b:s6+s3] =	stream.linear.scatter [tilespmem:s7], [sflag:$0x3], $0x200, $0x38;
	[tilespmem:$0x1A000] =	vst v63  }
0x157: {  	s9 =	simm.s32 $0xF200;
	s8 =	sadd.s32 $0x200, s0  }
0x158: {  	[hbm4b:s8+s3] =	stream.linear.scatter [tilespmem:s9], [sflag:$0x3], $0x200, $0x38;
	[tilespmem:$0x1A000] =	vst v63  }
0x159: {  	s11 =	simm.s32 $0xF600;
	s10 =	sadd.s32 $0x280, s0  }
0x15a: {  	[hbm4b:s10+s3] =	stream.linear.scatter [tilespmem:s11], [sflag:$0x3], $0x200, $0x38;
	[tilespmem:$0x1A000] =	vst v63  }
0x15b: {  	s13 =	simm.s32 $0xFA00;
	s12 =	sadd.s32 $0x300, s0  }
0x15c: {  	[hbm4b:s12+s3] =	stream.linear.scatter [tilespmem:s13], [sflag:$0x3], $0x200, $0x38;
	[tilespmem:$0x1A000] =	vst v63  }
0x15d: {  	s14 =	simm.s32 $0xFE00;
	s15 =	sor.u32 $0xC0000, s21;
	s0 =	sadd.s32 $0x380, s0  }
0x15e: {  	[hbm4b:s0+s3] =	stream.linear.scatter [tilespmem:s14], [sflag:$0x3], $0x200, $0x38;
	[tilespmem:$0x1A000] =	vst v63  }
0x15f: {  	s17 =	simm.s32 $0x10000;
	s0 =	sadd.s32 s2, s15  }
0x160: {  	[hbm4b:s0+s3] =	stream.linear.scatter [tilespmem:s17], [sflag:$0x3], $0x200, $0x38;
	[tilespmem:$0x1A000] =	vst v63  }
0x161: {  	s22 =	simm.s32 $0x10400;
	s18 =	sadd.s32 $0x80, s0  }
0x162: {  	[hbm4b:s18+s3] =	stream.linear.scatter [tilespmem:s22], [sflag:$0x3], $0x200, $0x38;
	[tilespmem:$0x1A000] =	vst v63  }
0x163: {  	s24 =	simm.s32 $0x10800;
	s23 =	sadd.s32 $0x100, s0  }
0x164: {  	[hbm4b:s23+s3] =	stream.linear.scatter [tilespmem:s24], [sflag:$0x3], $0x200, $0x38;
	[tilespmem:$0x1A000] =	vst v63  }
0x165: {  	s26 =	simm.s32 $0x10C00;
	s25 =	sadd.s32 $0x180, s0  }
0x166: {  	[hbm4b:s25+s3] =	stream.linear.scatter [tilespmem:s26], [sflag:$0x3], $0x200, $0x38;
	[tilespmem:$0x1A000] =	vst v63  }
0x167: {  	s29 =	simm.s32 $0x11000;
	s28 =	sadd.s32 $0x200, s0  }
0x168: {  	[hbm4b:s28+s3] =	stream.linear.scatter [tilespmem:s29], [sflag:$0x3], $0x200, $0x38;
	[tilespmem:$0x1A000] =	vst v63  }
0x169: {  	s6 =	simm.s32 $0x11400;
	s5 =	sadd.s32 $0x280, s0  }
0x16a: {  	[hbm4b:s5+s3] =	stream.linear.scatter [tilespmem:s6], [sflag:$0x3], $0x200, $0x38;
	[tilespmem:$0x1A000] =	vst v63  }
0x16b: {  	s8 =	simm.s32 $0x11800;
	s7 =	sadd.s32 $0x300, s0  }
0x16c: {  	[hbm4b:s7+s3] =	stream.linear.scatter [tilespmem:s8], [sflag:$0x3], $0x200, $0x38;
	[tilespmem:$0x1A000] =	vst v63  }
0x16d: {  	s9 =	simm.s32 $0x11C00;
	s10 =	sor.u32 $0xE0000, s21;
	s0 =	sadd.s32 $0x380, s0  }
0x16e: {  	[hbm4b:s0+s3] =	stream.linear.scatter [tilespmem:s9], [sflag:$0x3], $0x200, $0x38;
	[tilespmem:$0x1A000] =	vst v63  }
0x16f: {  	s11 =	simm.s32 $0x10200;
	s0 =	sadd.s32 s2, s10  }
0x170: {  	[hbm4b:s0+s3] =	stream.linear.scatter [tilespmem:s11], [sflag:$0x3], $0x200, $0x38;
	[tilespmem:$0x1A000] =	vst v63  }
0x171: {  	s13 =	simm.s32 $0x10600;
	s12 =	sadd.s32 $0x80, s0  }
0x172: {  	[hbm4b:s12+s3] =	stream.linear.scatter [tilespmem:s13], [sflag:$0x3], $0x200, $0x38;
	[tilespmem:$0x1A000] =	vst v63  }
0x173: {  	s15 =	simm.s32 $0x10A00;
	s14 =	sadd.s32 $0x100, s0  }
0x174: {  	[hbm4b:s14+s3] =	stream.linear.scatter [tilespmem:s15], [sflag:$0x3], $0x200, $0x38;
	[tilespmem:$0x1A000] =	vst v63  }
0x175: {  	s18 =	simm.s32 $0x10E00;
	s17 =	sadd.s32 $0x180, s0  }
0x176: {  	[hbm4b:s17+s3] =	stream.linear.scatter [tilespmem:s18], [sflag:$0x3], $0x200, $0x38;
	[tilespmem:$0x1A000] =	vst v63  }
0x177: {  	s23 =	simm.s32 $0x11200;
	s22 =	sadd.s32 $0x200, s0  }
0x178: {  	[hbm4b:s22+s3] =	stream.linear.scatter [tilespmem:s23], [sflag:$0x3], $0x200, $0x38;
	[tilespmem:$0x1A000] =	vst v63  }
0x179: {  	p1 =	sne.s32 s30, $0xF;
	s25 =	simm.s32 $0x11600;
	s24 =	sadd.s32 $0x280, s0  }
0x17a: {  	[hbm4b:s24+s3] =	stream.linear.scatter [tilespmem:s25], [sflag:$0x3], $0x200, $0x38;
	[tilespmem:$0x1A000] =	vst v63  }
.Ltmp3:
0x17b: {  	_ = 	snop;
	(pc) =	sbr.rel @p1 .LBB2_6-.Ltmp3, $4  }
0x17c: {  	s28 =	simm.s32 $0x11A00;
	s26 =	sadd.s32 $0x300, s0  }
0x17d: {  	[hbm4b:s26+s3] =	stream.linear.scatter [tilespmem:s28], [sflag:$0x3], $0x200, $0x38;
	[tilespmem:$0x1A000] =	vst v63  }
0x17e: {  	s29 =	simm.s32 $0x11E00;
	s0 =	sadd.s32 $0x380, s0  }
0x17f: {  	[hbm4b:s0+s3] =	stream.linear.scatter [tilespmem:s29], [sflag:$0x3], $0x200, $0x38;
	[tilespmem:$0x1A000] =	vst v63  }
.Ltmp4:
0x180: {  	(pc) =	sbr.rel .LBB2_7-.Ltmp4, $4  }
0x181: {  	_ = 	snop  }
0x182: {  	_ =	swait.ge [sflag:s19], $0x1000  }
0x183: {  	[sflag:s19] =	ssyncset.done $0x0  }
0x184: {  	[sflag:s19] =	ssyncadd.s32 $0xFFFFF000  }
.LBB2_6:
0x185: {  	s0 =	rddreg [dreg:$0x10]  }
0x186: {  	s1 =	simm.s32 $0x8000;
	s0 =	sadd.s32 s16, s0  }
0x187: {  	[tilespmem:s1], [sflag:$0x1] =	stream.linear.gather [hbm4b:s0+s3], $0x200, $0x38;
	[tilespmem:$0x1A000] =	vst v63  }
0x188: {  	s4 =	simm.s32 $0x8400;
	s13 =	sadd.s32 $0x80, s0  }
0x189: {  	[tilespmem:s4], [sflag:$0x1] =	stream.linear.gather [hbm4b:s13+s3], $0x200, $0x38;
	[tilespmem:$0x1A000] =	vst v63  }
0x18a: {  	s15 =	simm.s32 $0x8800;
	s14 =	sadd.s32 $0x100, s0  }
0x18b: {  	[tilespmem:s15], [sflag:$0x1] =	stream.linear.gather [hbm4b:s14+s3], $0x200, $0x38;
	[tilespmem:$0x1A000] =	vst v63  }
0x18c: {  	s18 =	simm.s32 $0x8C00;
	s17 =	sadd.s32 $0x180, s0  }
0x18d: {  	[tilespmem:s18], [sflag:$0x1] =	stream.linear.gather [hbm4b:s17+s3], $0x200, $0x38;
	[tilespmem:$0x1A000] =	vst v63  }
0x18e: {  	s23 =	simm.s32 $0x9000;
	s22 =	sadd.s32 $0x200, s0  }
0x18f: {  	[tilespmem:s23], [sflag:$0x1] =	stream.linear.gather [hbm4b:s22+s3], $0x200, $0x38;
	[tilespmem:$0x1A000] =	vst v63  }
0x190: {  	s25 =	simm.s32 $0x9400;
	s24 =	sadd.s32 $0x280, s0  }
0x191: {  	[tilespmem:s25], [sflag:$0x1] =	stream.linear.gather [hbm4b:s24+s3], $0x200, $0x38;
	[tilespmem:$0x1A000] =	vst v63  }
0x192: {  	s28 =	simm.s32 $0x9800;
	s26 =	sadd.s32 $0x300, s0  }
0x193: {  	[tilespmem:s28], [sflag:$0x1] =	stream.linear.gather [hbm4b:s26+s3], $0x200, $0x38;
	[tilespmem:$0x1A000] =	vst v63  }
.Ltmp5:
0x194: {  	s29 =	simm.s32 $0x9C00;
	s0 =	sadd.s32 $0x380, s0;
	(pc) =	sbr.rel @p0 .LBB2_8-.Ltmp5, $4  }
0x195: {  	[tilespmem:s29], [sflag:$0x1] =	stream.linear.gather [hbm4b:s0+s3], $0x200, $0x38;
	[tilespmem:$0x1A000] =	vst v63  }
0x196: {  	_ =	swait.ge [sflag:s19], $0x1000  }
0x197: {  	[sflag:s19] =	ssyncset.done $0x0  }
0x198: {  	[sflag:s19] =	ssyncadd.s32 $0xFFFFF000  }
.LBB2_7:
0x199: {  	_ =	swait.ge [sflag:s20], $0x8000  }
0x19a: {  	[sflag:s20] =	ssyncset.done $0x0  }
0x19b: {  	[sflag:s20] =	ssyncadd.s32 $0xFFFF8000  }
.LBB2_8:
0x19c: {  	s0 =	simm.s32 $0x0;
	s1 =	simm.s32 $0x0  }
0x19d: {  	s4 =	sand.u32 $0x1C00, s0;
	s1 =	sand.u32 $0x180, s1  }
0x19e: {  	s29 =	sand.u32 $0x40, s0;
	s9 =	sor.u32 s4, s1  }
0x19f: {  	s8 =	sor.u32 $0x30, s29;
	s6 =	sor.u32 $0x8200, s9  }
0x1a0: {  	s7 =	sor.u32 s8, s6  }
0x1a1: {  	s5 =	sor.u32 $0x10, s29;
	s10 =	sor.u32 s29, s6;
	v4 =	vld [tilespmem:s7+$0x0]  }
0x1a2: {  	s28 =	sor.u32 $0x20, s29;
	s11 =	sor.u32 s5, s6;
	v2 =	vld [tilespmem:s10+$0x0]  }
0x1a3: {  	s0 =	sor.u32 s28, s6;
	v1 =	vld [tilespmem:s11+$0x0]  }
0x1a4: {  	v3 =	vld [tilespmem:s0+$0x0];
	_ =	sdelay $0x4  }
0x1a5: {  	v0 =	vld.idx.msk [tilespmem:v4+s3+$0x0], $0xffff  }
0x1a6: {  	v5 =	vadd.s32 $0x1000, v4;
	v6 =	vld.idx.msk [tilespmem:v2+s3+$0x0], $0xffff  }
0x1a7: {  	v7 =	vadd.s32 $0x1000, v2;
	v8 =	vld.idx.msk [tilespmem:v1+s3+$0x0], $0xffff  }
0x1a8: {  	s12 =	sor.u32 $0x12000, s9;
	v9 =	vadd.s32 $0x1000, v1;
	v10 =	vld.idx.msk [tilespmem:v3+s3+$0x0], $0xffff  }
0x1a9: {  	s13 =	sor.u32 s8, s12;
	v11 =	vadd.s32 $0x1000, v3  }
0x1aa: {  	s14 =	sor.u32 s29, s12;
	[tilespmem:s13+$0x0] =	vst v0  }
0x1ab: {  	s15 =	sor.u32 s5, s12;
	[tilespmem:s14+$0x0] =	vst v6;
	v0 =	vld.idx.msk [tilespmem:v5+s3+$0x0], $0xffff  }
0x1ac: {  	s0 =	sor.u32 s28, s12;
	[tilespmem:s15+$0x0] =	vst v8;
	v5 =	vadd.s32 $0x2000, v4;
	v6 =	vld.idx.msk [tilespmem:v7+s3+$0x0], $0xffff  }
0x1ad: {  	[tilespmem:s0+$0x0] =	vst v10;
	v7 =	vadd.s32 $0x2000, v2;
	v8 =	vld.idx.msk [tilespmem:v9+s3+$0x0], $0xffff  }
0x1ae: {  	s17 =	sor.u32 $0x12200, s9;
	v9 =	vadd.s32 $0x2000, v1;
	v10 =	vld.idx.msk [tilespmem:v11+s3+$0x0], $0xffff  }
0x1af: {  	s18 =	sor.u32 s8, s17;
	v11 =	vadd.s32 $0x2000, v3  }
0x1b0: {  	s22 =	sor.u32 s29, s17;
	[tilespmem:s18+$0x0] =	vst v0  }
0x1b1: {  	s23 =	sor.u32 s5, s17;
	[tilespmem:s22+$0x0] =	vst v6;
	v0 =	vld.idx.msk [tilespmem:v5+s3+$0x0], $0xffff  }
0x1b2: {  	s0 =	sor.u32 s28, s17;
	[tilespmem:s23+$0x0] =	vst v8;
	v5 =	vadd.s32 $0x3000, v4;
	v6 =	vld.idx.msk [tilespmem:v7+s3+$0x0], $0xffff  }
0x1b3: {  	[tilespmem:s0+$0x0] =	vst v10;
	v7 =	vadd.s32 $0x3000, v2;
	v8 =	vld.idx.msk [tilespmem:v9+s3+$0x0], $0xffff  }
0x1b4: {  	s24 =	sor.u32 $0x14000, s9;
	v9 =	vadd.s32 $0x3000, v1;
	v10 =	vld.idx.msk [tilespmem:v11+s3+$0x0], $0xffff  }
0x1b5: {  	s1 =	simm.s32 $0x40;
	s25 =	sor.u32 s8, s24;
	v11 =	vadd.s32 $0x3000, v3  }
0x1b6: {  	s26 =	sor.u32 s29, s24;
	s7 =	simm.s32 $0x8;
	s0 =	simm.s32 $0x200;
	[tilespmem:s25+$0x0] =	vst v0  }
0x1b7: {  	s6 =	sor.u32 s5, s24;
	s7 =	sand.u32 $0x180, s7;
	s10 =	sand.u32 $0x1C00, s0;
	[tilespmem:s26+$0x0] =	vst v6;
	v5 =	vld.idx.msk [tilespmem:v5+s3+$0x0], $0xffff  }
0x1b8: {  	s4 =	sor.u32 s28, s24;
	s22 =	sor.u32 s10, s7;
	[tilespmem:s6+$0x0] =	vst v8;
	s25 =	sand.u32 $0x40, s1;
	v7 =	vld.idx.msk [tilespmem:v7+s3+$0x0], $0xffff  }
0x1b9: {  	v6 =	vadd.s32 $0x4000, v4;
	[tilespmem:s4+$0x0] =	vst v10;
	s6 =	sor.u32 $0x8200, s22;
	v8 =	vld.idx.msk [tilespmem:v9+s3+$0x0], $0xffff;
	s26 =	sor.u32 $0x30, s25  }
0x1ba: {  	v9 =	vld.idx.msk [tilespmem:v11+s3+$0x0], $0xffff;
	s12 =	sor.u32 s26, s6  }
0x1bb: {  	s11 =	sor.u32 $0x14200, s9;
	v10 =	vadd.s32 $0x4000, v2;
	s23 =	sor.u32 $0x10, s25;
	s14 =	sor.u32 s25, s6;
	v0 =	vld [tilespmem:s12+$0x0]  }
0x1bc: {  	s13 =	sor.u32 s8, s11;
	v11 =	vadd.s32 $0x4000, v3;
	s15 =	sor.u32 s23, s6;
	v13 =	vld [tilespmem:s14+$0x0]  }
0x1bd: {  	s24 =	sor.u32 $0x20, s25;
	v14 =	vld [tilespmem:s15+$0x0];
	[tilespmem:s13+$0x0] =	vst v5;
	v5 =	vadd.s32 $0x4000, v1  }
0x1be: {  	s17 =	sor.u32 s29, s11;
	s4 =	sor.u32 s24, s6;
	v6 =	vld.idx.msk [tilespmem:v6+s3+$0x0], $0xffff  }
0x1bf: {  	v12 =	vadd.s32 $0x5000, v4;
	s18 =	sor.u32 s5, s11;
	s11 =	sor.u32 s28, s11;
	v23 =	vld [tilespmem:s4+$0x0];
	[tilespmem:s17+$0x0] =	vst v7  }
0x1c0: {  	[tilespmem:s11+$0x0] =	vst v9;
	v7 =	vld.idx.msk [tilespmem:v10+s3+$0x0], $0xffff  }
0x1c1: {  	s12 =	sor.u32 $0x16000, s9;
	[tilespmem:s18+$0x0] =	vst v8;
	v8 =	vld.idx.msk [tilespmem:v11+s3+$0x0], $0xffff  }
0x1c2: {  	s13 =	sor.u32 s8, s12;
	v5 =	vld.idx.msk [tilespmem:v5+s3+$0x0], $0xffff  }
0x1c3: {  	v11 =	vld.idx.msk [tilespmem:v0+s3+$0x0], $0xffff;
	[tilespmem:s13+$0x0] =	vst v6;
	v6 =	vadd.s32 $0x5000, v2  }
0x1c4: {  	s14 =	sor.u32 s29, s12;
	v10 =	vadd.s32 $0x5000, v1;
	v9 =	vld.idx.msk [tilespmem:v12+s3+$0x0], $0xffff  }
0x1c5: {  	s17 =	sor.u32 s28, s12;
	v17 =	vadd.s32 $0x1000, v0;
	[tilespmem:s14+$0x0] =	vst v7;
	v12 =	vld.idx.msk [tilespmem:v13+s3+$0x0], $0xffff  }
0x1c6: {  	v15 =	vadd.s32 $0x6000, v4;
	s15 =	sor.u32 s5, s12;
	s18 =	sor.u32 $0x12000, s22;
	v16 =	vld.idx.msk [tilespmem:v14+s3+$0x0], $0xffff;
	[tilespmem:s17+$0x0] =	vst v8  }
0x1c7: {  	s6 =	sor.u32 $0x16200, s9;
	s11 =	sor.u32 s26, s18;
	v18 =	vld.idx.msk [tilespmem:v23+s3+$0x0], $0xffff;
	v7 =	vadd.s32 $0x1000, v13;
	[tilespmem:s15+$0x0] =	vst v5  }
0x1c8: {  	s10 =	sor.u32 s8, s6;
	v8 =	vadd.s32 $0x1000, v23;
	[tilespmem:s11+$0x0] =	vst v11;
	v6 =	vld.idx.msk [tilespmem:v6+s3+$0x0], $0xffff  }
0x1c9: {  	s12 =	sor.u32 s25, s18;
	v5 =	vadd.s32 $0x1000, v14;
	v10 =	vld.idx.msk [tilespmem:v10+s3+$0x0], $0xffff;
	[tilespmem:s10+$0x0] =	vst v9  }
0x1ca: {  	s13 =	sor.u32 s23, s18;
	v9 =	vadd.s32 $0x5000, v3;
	[tilespmem:s12+$0x0] =	vst v12;
	v12 =	vld.idx.msk [tilespmem:v17+s3+$0x0], $0xffff  }
0x1cb: {  	s14 =	sor.u32 s24, s18;
	[tilespmem:s13+$0x0] =	vst v16;
	v11 =	vld.idx.msk [tilespmem:v15+s3+$0x0], $0xffff;
	v15 =	vadd.s32 $0x6000, v2  }
0x1cc: {  	s15 =	sor.u32 s29, s6;
	[tilespmem:s14+$0x0] =	vst v18;
	v16 =	vadd.s32 $0x2000, v0;
	v7 =	vld.idx.msk [tilespmem:v7+s3+$0x0], $0xffff  }
0x1cd: {  	v4 =	vadd.s32 $0x7000, v4;
	s17 =	sor.u32 s5, s6;
	s18 =	sor.u32 $0x12200, s22;
	v8 =	vld.idx.msk [tilespmem:v8+s3+$0x0], $0xffff;
	[tilespmem:s15+$0x0] =	vst v6  }
0x1ce: {  	s11 =	sor.u32 s26, s18;
	v17 =	vadd.s32 $0x2000, v13;
	s10 =	sor.u32 $0x18000, s9;
	v5 =	vld.idx.msk [tilespmem:v5+s3+$0x0], $0xffff;
	[tilespmem:s17+$0x0] =	vst v10  }
0x1cf: {  	s12 =	sor.u32 s8, s10;
	v6 =	vadd.s32 $0x2000, v14;
	v9 =	vld.idx.msk [tilespmem:v9+s3+$0x0], $0xffff;
	[tilespmem:s11+$0x0] =	vst v12  }
0x1d0: {  	s13 =	sor.u32 s25, s18;
	v10 =	vadd.s32 $0x2000, v23;
	v18 =	vld.idx.msk [tilespmem:v15+s3+$0x0], $0xffff;
	[tilespmem:s12+$0x0] =	vst v11  }
0x1d1: {  	v11 =	vadd.s32 $0x6000, v1;
	[tilespmem:s13+$0x0] =	vst v7;
	v7 =	vld.idx.msk [tilespmem:v16+s3+$0x0], $0xffff  }
0x1d2: {  	v24 =	vadd.s32 $0x6000, v3;
	s14 =	sor.u32 s23, s18;
	v20 =	vld.idx.msk [tilespmem:v4+s3+$0x0], $0xffff  }
0x1d3: {  	v25 =	vadd.s32 $0x7000, v2;
	s15 =	sor.u32 s24, s18;
	v26 =	vld.idx.msk [tilespmem:v17+s3+$0x0], $0xffff;
	[tilespmem:s14+$0x0] =	vst v5  }
0x1d4: {  	v27 =	vadd.s32 $0x3000, v0;
	s6 =	sor.u32 s28, s6;
	v2 =	vadd.s32 $0x7000, v1;
	[tilespmem:s15+$0x0] =	vst v8;
	v12 =	vadd.s32 $0x4000, v13;
	v21 =	vld.idx.msk [tilespmem:v6+s3+$0x0], $0xffff  }
0x1d5: {  	s9 =	sor.u32 $0x18200, s9;
	s17 =	sor.u32 s29, s10;
	s18 =	sor.u32 $0x14000, s22;
	v8 =	vadd.s32 $0x5000, v14;
	v1 =	vadd.s32 $0x7000, v3;
	v17 =	vadd.s32 $0x3000, v13;
	v22 =	vld.idx.msk [tilespmem:v10+s3+$0x0], $0xffff;
	[tilespmem:s6+$0x0] =	vst v9  }
0x1d6: {  	s7 =	simm.s32 $0x4;
	s11 =	sor.u32 s8, s9;
	v16 =	vadd.s32 $0x3000, v14;
	v15 =	vadd.s32 $0x3000, v23;
	s12 =	sor.u32 s26, s18;
	v3 =	vadd.s32 $0x7000, v13;
	[tilespmem:s17+$0x0] =	vst v18;
	v19 =	vld.idx.msk [tilespmem:v11+s3+$0x0], $0xffff  }
0x1d7: {  	s15 =	sor.u32 s29, s9;
	s4 =	sor.u32 s23, s18;
	s29 =	sor.u32 s28, s9;
	v4 =	vadd.s32 $0x6000, v13;
	v5 =	vadd.s32 $0x6000, v14;
	v10 =	vadd.s32 $0x4000, v14;
	v18 =	vld.idx.msk [tilespmem:v24+s3+$0x0], $0xffff;
	[tilespmem:s12+$0x0] =	vst v7  }
0x1d8: {  	s13 =	sor.u32 s28, s10;
	s14 =	sor.u32 s5, s10;
	v6 =	vadd.s32 $0x5000, v13;
	v14 =	vadd.s32 $0x7000, v14;
	v13 =	vadd.s32 $0x7000, v23;
	s17 =	sor.u32 s25, s18;
	[tilespmem:s11+$0x0] =	vst v20;
	v20 =	vld.idx.msk [tilespmem:v25+s3+$0x0], $0xffff  }
0x1d9: {  	v9 =	vadd.s32 $0x5000, v23;
	v11 =	vadd.s32 $0x4000, v23;
	s18 =	sor.u32 s24, s18;
	v7 =	vadd.s32 $0x6000, v23;
	s12 =	sor.u32 s5, s9;
	s5 =	simm.s32 $0x40;
	[tilespmem:s17+$0x0] =	vst v26;
	v23 =	vld.idx.msk [tilespmem:v27+s3+$0x0], $0xffff  }
.LBB2_9:
0x1da: {  	s6 =	sshrl.u32 s5, $0x2;
	v17 =	vld.idx.msk [tilespmem:v17+s3+$0x0], $0xffff;
	[tilespmem:s4+$0x0] =	vst v21;
	s1 =	sadd.s32 $0x40, s1;
	s0 =	sadd.s32 $0x200, s0  }
0x1db: {  	s7 =	sadd.s32 $0x4, s7;
	v21 =	vadd.s32 $0x4000, v0;
	s4 =	sand.u32 $0x1C00, s0;
	s6 =	sand.u32 $0x180, s6;
	v16 =	vld.idx.msk [tilespmem:v16+s3+$0x0], $0xffff;
	[tilespmem:s18+$0x0] =	vst v22  }
0x1dc: {  	s8 =	sand.u32 $0x40, s1;
	p0 =	slt.u32 s7, $0xFC;
	s28 =	sor.u32 s4, s6;
	v15 =	vld.idx.msk [tilespmem:v15+s3+$0x0], $0xffff;
	[tilespmem:s14+$0x0] =	vst v19  }
0x1dd: {  	s9 =	sor.u32 $0x30, s8;
	s6 =	sor.u32 $0x14200, s22;
	s4 =	sor.u32 $0x8200, s28;
	v19 =	vld.idx.msk [tilespmem:v2+s3+$0x0], $0xffff;
	[tilespmem:s13+$0x0] =	vst v18;
	v2 =	vmov v14  }
0x1de: {  	s11 =	sor.u32 $0x10, s8;
	s13 =	sor.u32 s26, s6;
	s10 =	sor.u32 s9, s4;
	[tilespmem:s15+$0x0] =	vst v20;
	v14 =	vld.idx.msk [tilespmem:v1+s3+$0x0], $0xffff;
	v1 =	vmov v13  }
0x1df: {  	s17 =	sor.u32 $0x20, s8;
	s14 =	sor.u32 s8, s4;
	s15 =	sor.u32 s11, s4;
	v18 =	vld [tilespmem:s10+$0x0];
	[tilespmem:s13+$0x0] =	vst v23  }
0x1e0: {  	s4 =	sor.u32 s17, s4;
	s10 =	sor.u32 s25, s6;
	s13 =	sor.u32 s23, s6;
	v13 =	vld.idx.msk [tilespmem:v21+s3+$0x0], $0xffff  }
0x1e1: {  	s6 =	sor.u32 s24, s6;
	v20 =	vld [tilespmem:s14+$0x0];
	[tilespmem:s10+$0x0] =	vst v17;
	s10 =	smov.u32 s23;
	s23 =	smov.u32 s11  }
0x1e2: {  	v22 =	vadd.s32 $0x5000, v0;
	s11 =	smov.u32 s24;
	s24 =	smov.u32 s17;
	v21 =	vld [tilespmem:s15+$0x0];
	[tilespmem:s13+$0x0] =	vst v16  }
0x1e3: {  	v23 =	vld [tilespmem:s4+$0x0];
	[tilespmem:s6+$0x0] =	vst v15  }
0x1e4: {  	s4 =	sor.u32 $0x16000, s22;
	v24 =	vld.idx.msk [tilespmem:v12+s3+$0x0], $0xffff;
	[tilespmem:s12+$0x0] =	vst v19  }
0x1e5: {  	s6 =	sor.u32 s25, s4;
	s12 =	sor.u32 s10, s4;
	s13 =	sor.u32 s26, s4;
	v19 =	vld.idx.msk [tilespmem:v10+s3+$0x0], $0xffff;
	[tilespmem:s29+$0x0] =	vst v14  }
0x1e6: {  	s4 =	sor.u32 s11, s4;
	v25 =	vadd.s32 $0x1000, v20;
	v26 =	vadd.s32 $0x2000, v20;
	v17 =	vadd.s32 $0x3000, v20;
	v14 =	vld.idx.msk [tilespmem:v11+s3+$0x0], $0xffff;
	[tilespmem:s13+$0x0] =	vst v13  }
0x1e7: {  	v27 =	vadd.s32 $0x1000, v21;
	v28 =	vadd.s32 $0x2000, v21;
	v16 =	vadd.s32 $0x3000, v21;
	v22 =	vld.idx.msk [tilespmem:v22+s3+$0x0], $0xffff  }
0x1e8: {  	v29 =	vadd.s32 $0x1000, v23;
	v30 =	vadd.s32 $0x2000, v23;
	v15 =	vadd.s32 $0x3000, v23;
	v31 =	vld.idx.msk [tilespmem:v18+s3+$0x0], $0xffff  }
0x1e9: {  	v33 =	vadd.s32 $0x6000, v0;
	v12 =	vadd.s32 $0x4000, v20;
	v10 =	vadd.s32 $0x4000, v21;
	v32 =	vld.idx.msk [tilespmem:v20+s3+$0x0], $0xffff  }
0x1ea: {  	v35 =	vadd.s32 $0x1000, v18;
	v13 =	vadd.s32 $0x5000, v20;
	v11 =	vadd.s32 $0x4000, v23;
	v34 =	vld.idx.msk [tilespmem:v21+s3+$0x0], $0xffff;
	[tilespmem:s6+$0x0] =	vst v24  }
0x1eb: {  	v36 =	vadd.s32 $0x5000, v21;
	v38 =	vadd.s32 $0x5000, v23;
	v24 =	vadd.s32 $0x6000, v20;
	s6 =	sor.u32 $0x16200, s22;
	v37 =	vld.idx.msk [tilespmem:v23+s3+$0x0], $0xffff;
	[tilespmem:s12+$0x0] =	vst v19  }
0x1ec: {  	v39 =	vadd.s32 $0x7000, v20;
	v40 =	vadd.s32 $0x6000, v23;
	v20 =	vadd.s32 $0x6000, v21;
	s12 =	sor.u32 $0x12000, s28;
	s13 =	sor.u32 s25, s6;
	v19 =	vld.idx.msk [tilespmem:v6+s3+$0x0], $0xffff;
	[tilespmem:s4+$0x0] =	vst v14;
	s4 =	sor.u32 s26, s6;
	v6 =	vmovc v13  }
0x1ed: {  	s14 =	sor.u32 s8, s12;
	s15 =	sor.u32 s23, s12;
	v14 =	vadd.s32 $0x7000, v21;
	v13 =	vadd.s32 $0x7000, v23;
	s17 =	sor.u32 s9, s12;
	v21 =	vld.idx.msk [tilespmem:v8+s3+$0x0], $0xffff;
	[tilespmem:s4+$0x0] =	vst v22;
	v8 =	vmov v36  }
0x1ee: {  	s4 =	sor.u32 s24, s12;
	s12 =	sor.u32 s10, s6;
	s6 =	sor.u32 s11, s6;
	[tilespmem:s17+$0x0] =	vst v31;
	v22 =	vld.idx.msk [tilespmem:v33+s3+$0x0], $0xffff  }
0x1ef: {  	[tilespmem:s14+$0x0] =	vst v32;
	v23 =	vld.idx.msk [tilespmem:v35+s3+$0x0], $0xffff  }
0x1f0: {  	v31 =	vadd.s32 $0x7000, v0;
	v0 =	vmov v18;
	v25 =	vld.idx.msk [tilespmem:v25+s3+$0x0], $0xffff;
	[tilespmem:s15+$0x0] =	vst v34  }
0x1f1: {  	v18 =	vld.idx.msk [tilespmem:v27+s3+$0x0], $0xffff;
	[tilespmem:s4+$0x0] =	vst v37;
	v27 =	vadd.s32 $0x2000, v0  }
0x1f2: {  	s4 =	sor.u32 $0x18000, s22;
	v29 =	vld.idx.msk [tilespmem:v29+s3+$0x0], $0xffff;
	[tilespmem:s13+$0x0] =	vst v19  }
0x1f3: {  	s13 =	sor.u32 $0x12200, s28;
	s15 =	sor.u32 s25, s4;
	[tilespmem:s12+$0x0] =	vst v21;
	v19 =	vld.idx.msk [tilespmem:v9+s3+$0x0], $0xffff;
	s12 =	sor.u32 s26, s4;
	v9 =	vmov v38  }
0x1f4: {  	s17 =	sor.u32 s8, s13;
	s18 =	sor.u32 s23, s13;
	s14 =	sor.u32 s9, s13;
	v32 =	vld.idx.msk [tilespmem:v4+s3+$0x0], $0xffff;
	[tilespmem:s12+$0x0] =	vst v22;
	v4 =	vmov v24  }
0x1f5: {  	s12 =	sor.u32 s24, s13;
	s13 =	sor.u32 s11, s4;
	[tilespmem:s14+$0x0] =	vst v23;
	s14 =	sor.u32 s10, s4;
	v23 =	vld.idx.msk [tilespmem:v31+s3+$0x0], $0xffff  }
0x1f6: {  	[tilespmem:s17+$0x0] =	vst v25;
	v24 =	vld.idx.msk [tilespmem:v27+s3+$0x0], $0xffff  }
0x1f7: {  	v25 =	vld.idx.msk [tilespmem:v26+s3+$0x0], $0xffff;
	[tilespmem:s18+$0x0] =	vst v18  }
0x1f8: {  	v26 =	vadd.s32 $0x3000, v0;
	v21 =	vld.idx.msk [tilespmem:v28+s3+$0x0], $0xffff;
	[tilespmem:s12+$0x0] =	vst v29  }
.Ltmp6:
0x1f9: {  	s17 =	sor.u32 $0x18200, s22;
	s22 =	smov.u32 s28;
	v22 =	vld.idx.msk [tilespmem:v30+s3+$0x0], $0xffff;
	[tilespmem:s6+$0x0] =	vst v19;
	(pc) =	sbr.rel @p0 .LBB2_9-.Ltmp6, $4  }
0x1fa: {  	s12 =	sor.u32 s26, s17;
	s6 =	sor.u32 $0x14000, s22;
	[tilespmem:s15+$0x0] =	vst v32;
	s15 =	sor.u32 s25, s17;
	v19 =	vld.idx.msk [tilespmem:v5+s3+$0x0], $0xffff;
	v5 =	vmov v20  }
0x1fb: {  	s25 =	sor.u32 s8, s6;
	s4 =	sor.u32 s23, s6;
	s26 =	sor.u32 s9, s6;
	v18 =	vld.idx.msk [tilespmem:v7+s3+$0x0], $0xffff;
	[tilespmem:s12+$0x0] =	vst v23;
	v7 =	vmov v40  }
0x1fc: {  	s29 =	sor.u32 s11, s17;
	s18 =	sor.u32 s24, s6;
	s12 =	sor.u32 s10, s17;
	[tilespmem:s26+$0x0] =	vst v24;
	v20 =	vld.idx.msk [tilespmem:v3+s3+$0x0], $0xffff;
	v3 =	vmov v39  }
0x1fd: {  	s5 =	sadd.s32 $0x20, s5;
	s26 =	smov.u32 s9;
	[tilespmem:s25+$0x0] =	vst v25;
	v23 =	vld.idx.msk [tilespmem:v26+s3+$0x0], $0xffff;
	s25 =	smov.u32 s8  }
0x1fe: {  	_ =	sdelay $0x3  }
0x1ff: {  	v17 =	vld.idx.msk [tilespmem:v17+s3+$0x0], $0xffff;
	[tilespmem:s4+$0x0] =	vst v21;
	v55 =	vadd.s32 $0x4000, v0  }
0x200: {  	[tilespmem:s18+$0x0] =	vst v22;
	v16 =	vld.idx.msk [tilespmem:v16+s3+$0x0], $0xffff  }
0x201: {  	s0 =	sor.u32 $0x14200, s22;
	v15 =	vld.idx.msk [tilespmem:v15+s3+$0x0], $0xffff  }
0x202: {  	s1 =	sor.u32 s26, s0  }
0x203: {  	s5 =	sor.u32 s25, s0;
	[tilespmem:s1+$0x0] =	vst v23  }
0x204: {  	s6 =	sor.u32 s23, s0;
	[tilespmem:s5+$0x0] =	vst v17;
	v56 =	vld.idx.msk [tilespmem:v55+s3+$0x0], $0xffff  }
0x205: {  	v57 =	vadd.s32 $0x5000, v0;
	s0 =	sor.u32 s24, s0;
	[tilespmem:s6+$0x0] =	vst v16;
	v12 =	vld.idx.msk [tilespmem:v12+s3+$0x0], $0xffff  }
0x206: {  	[tilespmem:s0+$0x0] =	vst v15;
	v10 =	vld.idx.msk [tilespmem:v10+s3+$0x0], $0xffff  }
0x207: {  	s7 =	sor.u32 $0x16000, s22;
	v11 =	vld.idx.msk [tilespmem:v11+s3+$0x0], $0xffff  }
0x208: {  	s8 =	sor.u32 s26, s7  }
0x209: {  	s9 =	sor.u32 s25, s7;
	[tilespmem:s8+$0x0] =	vst v56  }
0x20a: {  	s10 =	sor.u32 s23, s7;
	[tilespmem:s9+$0x0] =	vst v12;
	v58 =	vld.idx.msk [tilespmem:v57+s3+$0x0], $0xffff  }
0x20b: {  	v59 =	vadd.s32 $0x6000, v0;
	s0 =	sor.u32 s24, s7;
	[tilespmem:s10+$0x0] =	vst v10;
	v6 =	vld.idx.msk [tilespmem:v6+s3+$0x0], $0xffff  }
0x20c: {  	[tilespmem:s0+$0x0] =	vst v11;
	v8 =	vld.idx.msk [tilespmem:v8+s3+$0x0], $0xffff  }
0x20d: {  	s11 =	sor.u32 $0x16200, s22;
	v9 =	vld.idx.msk [tilespmem:v9+s3+$0x0], $0xffff  }
0x20e: {  	[tilespmem:s14+$0x0] =	vst v19;
	s14 =	sor.u32 s26, s11  }
0x20f: {  	s17 =	sor.u32 s25, s11;
	[tilespmem:s14+$0x0] =	vst v58  }
0x210: {  	s18 =	sor.u32 s23, s11;
	[tilespmem:s17+$0x0] =	vst v6;
	v60 =	vld.idx.msk [tilespmem:v59+s3+$0x0], $0xffff  }
0x211: {  	v61 =	vadd.s32 $0x7000, v0;
	s0 =	sor.u32 s24, s11;
	[tilespmem:s18+$0x0] =	vst v8;
	v4 =	vld.idx.msk [tilespmem:v4+s3+$0x0], $0xffff  }
0x212: {  	[tilespmem:s0+$0x0] =	vst v9;
	v5 =	vld.idx.msk [tilespmem:v5+s3+$0x0], $0xffff  }
0x213: {  	s28 =	sor.u32 $0x18000, s22;
	[tilespmem:s13+$0x0] =	vst v18;
	v7 =	vld.idx.msk [tilespmem:v7+s3+$0x0], $0xffff  }
0x214: {  	s4 =	sor.u32 s26, s28;
	v2 =	vld.idx.msk [tilespmem:v2+s3+$0x0], $0xffff;
	[tilespmem:s15+$0x0] =	vst v20  }
0x215: {  	v1 =	vld.idx.msk [tilespmem:v1+s3+$0x0], $0xffff;
	s5 =	sor.u32 s25, s28;
	[tilespmem:s4+$0x0] =	vst v60  }
0x216: {  	s6 =	sor.u32 s23, s28;
	[tilespmem:s5+$0x0] =	vst v4;
	v0 =	vld.idx.msk [tilespmem:v61+s3+$0x0], $0xffff  }
0x217: {  	s0 =	sor.u32 s24, s28;
	[tilespmem:s6+$0x0] =	vst v5;
	v3 =	vld.idx.msk [tilespmem:v3+s3+$0x0], $0xffff  }
0x218: {  	[tilespmem:s0+$0x0] =	vst v7;
	v62 =	vld.idx.msk [tilespmem:v14+s3+$0x0], $0xffff  }
0x219: {  	s7 =	sor.u32 $0x18200, s22;
	[tilespmem:s12+$0x0] =	vst v2;
	v63 =	vld.idx.msk [tilespmem:v13+s3+$0x0], $0xffff  }
0x21a: {  	[tilespmem:s29+$0x0] =	vst v1;
	s8 =	sor.u32 s26, s7  }
0x21b: {  	s9 =	sor.u32 s25, s7;
	[tilespmem:s8+$0x0] =	vst v0  }
0x21c: {  	s10 =	sor.u32 s23, s7;
	[tilespmem:s9+$0x0] =	vst v3  }
0x21d: {  	s0 =	sor.u32 s24, s7;
	[tilespmem:s10+$0x0] =	vst v62  }
0x21e: {  	[tilespmem:s0+$0x0] =	vst v63  }
0x21f: {  	s0 =	rddreg [dreg:$0x11]  }
0x220: {  	s11 =	simm.s32 $0x12000;
	s0 =	sadd.s32 s21, s0  }
0x221: {  	[hbm4b:s0+s3] =	stream.linear.scatter [tilespmem:s11], [sflag:$0x4], $0x200, $0x38;
	[tilespmem:$0x1A000] =	vst v63  }
0x222: {  	s13 =	simm.s32 $0x12400;
	s12 =	sadd.s32 $0x80, s0  }
0x223: {  	[hbm4b:s12+s3] =	stream.linear.scatter [tilespmem:s13], [sflag:$0x4], $0x200, $0x38;
	[tilespmem:$0x1A000] =	vst v63  }
0x224: {  	s15 =	simm.s32 $0x12800;
	s14 =	sadd.s32 $0x100, s0  }
0x225: {  	[hbm4b:s14+s3] =	stream.linear.scatter [tilespmem:s15], [sflag:$0x4], $0x200, $0x38;
	[tilespmem:$0x1A000] =	vst v63  }
0x226: {  	s18 =	simm.s32 $0x12C00;
	s17 =	sadd.s32 $0x180, s0  }
0x227: {  	[hbm4b:s17+s3] =	stream.linear.scatter [tilespmem:s18], [sflag:$0x4], $0x200, $0x38;
	[tilespmem:$0x1A000] =	vst v63  }
0x228: {  	s23 =	simm.s32 $0x13000;
	s22 =	sadd.s32 $0x200, s0  }
0x229: {  	[hbm4b:s22+s3] =	stream.linear.scatter [tilespmem:s23], [sflag:$0x4], $0x200, $0x38;
	[tilespmem:$0x1A000] =	vst v63  }
0x22a: {  	s25 =	simm.s32 $0x13400;
	s24 =	sadd.s32 $0x280, s0  }
0x22b: {  	[hbm4b:s24+s3] =	stream.linear.scatter [tilespmem:s25], [sflag:$0x4], $0x200, $0x38;
	[tilespmem:$0x1A000] =	vst v63  }
0x22c: {  	s28 =	simm.s32 $0x13800;
	s26 =	sadd.s32 $0x300, s0  }
0x22d: {  	[hbm4b:s26+s3] =	stream.linear.scatter [tilespmem:s28], [sflag:$0x4], $0x200, $0x38;
	[tilespmem:$0x1A000] =	vst v63  }
0x22e: {  	s29 =	simm.s32 $0x13C00;
	s4 =	sor.u32 $0x20040, s21;
	s0 =	sadd.s32 $0x380, s0  }
0x22f: {  	[hbm4b:s0+s3] =	stream.linear.scatter [tilespmem:s29], [sflag:$0x4], $0x200, $0x38;
	[tilespmem:$0x1A000] =	vst v63  }
0x230: {  	s5 =	simm.s32 $0x12200;
	s0 =	sadd.s32 s2, s4  }
0x231: {  	[hbm4b:s0+s3] =	stream.linear.scatter [tilespmem:s5], [sflag:$0x4], $0x200, $0x38;
	[tilespmem:$0x1A000] =	vst v63  }
0x232: {  	s7 =	simm.s32 $0x12600;
	s6 =	sadd.s32 $0x80, s0  }
0x233: {  	[hbm4b:s6+s3] =	stream.linear.scatter [tilespmem:s7], [sflag:$0x4], $0x200, $0x38;
	[tilespmem:$0x1A000] =	vst v63  }
0x234: {  	s9 =	simm.s32 $0x12A00;
	s8 =	sadd.s32 $0x100, s0  }
0x235: {  	[hbm4b:s8+s3] =	stream.linear.scatter [tilespmem:s9], [sflag:$0x4], $0x200, $0x38;
	[tilespmem:$0x1A000] =	vst v63  }
0x236: {  	s11 =	simm.s32 $0x12E00;
	s10 =	sadd.s32 $0x180, s0  }
0x237: {  	[hbm4b:s10+s3] =	stream.linear.scatter [tilespmem:s11], [sflag:$0x4], $0x200, $0x38;
	[tilespmem:$0x1A000] =	vst v63  }
0x238: {  	s13 =	simm.s32 $0x13200;
	s12 =	sadd.s32 $0x200, s0  }
0x239: {  	[hbm4b:s12+s3] =	stream.linear.scatter [tilespmem:s13], [sflag:$0x4], $0x200, $0x38;
	[tilespmem:$0x1A000] =	vst v63  }
0x23a: {  	s15 =	simm.s32 $0x13600;
	s14 =	sadd.s32 $0x280, s0  }
0x23b: {  	[hbm4b:s14+s3] =	stream.linear.scatter [tilespmem:s15], [sflag:$0x4], $0x200, $0x38;
	[tilespmem:$0x1A000] =	vst v63  }
0x23c: {  	s18 =	simm.s32 $0x13A00;
	s17 =	sadd.s32 $0x300, s0  }
0x23d: {  	[hbm4b:s17+s3] =	stream.linear.scatter [tilespmem:s18], [sflag:$0x4], $0x200, $0x38;
	[tilespmem:$0x1A000] =	vst v63  }
0x23e: {  	s22 =	simm.s32 $0x13E00;
	s23 =	sor.u32 $0x40040, s21;
	s0 =	sadd.s32 $0x380, s0  }
0x23f: {  	[hbm4b:s0+s3] =	stream.linear.scatter [tilespmem:s22], [sflag:$0x4], $0x200, $0x38;
	[tilespmem:$0x1A000] =	vst v63  }
0x240: {  	s24 =	simm.s32 $0x14000;
	s0 =	sadd.s32 s2, s23  }
0x241: {  	[hbm4b:s0+s3] =	stream.linear.scatter [tilespmem:s24], [sflag:$0x4], $0x200, $0x38;
	[tilespmem:$0x1A000] =	vst v63  }
0x242: {  	s26 =	simm.s32 $0x14400;
	s25 =	sadd.s32 $0x80, s0  }
0x243: {  	[hbm4b:s25+s3] =	stream.linear.scatter [tilespmem:s26], [sflag:$0x4], $0x200, $0x38;
	[tilespmem:$0x1A000] =	vst v63  }
0x244: {  	s29 =	simm.s32 $0x14800;
	s28 =	sadd.s32 $0x100, s0  }
0x245: {  	[hbm4b:s28+s3] =	stream.linear.scatter [tilespmem:s29], [sflag:$0x4], $0x200, $0x38;
	[tilespmem:$0x1A000] =	vst v63  }
0x246: {  	s5 =	simm.s32 $0x14C00;
	s4 =	sadd.s32 $0x180, s0  }
0x247: {  	[hbm4b:s4+s3] =	stream.linear.scatter [tilespmem:s5], [sflag:$0x4], $0x200, $0x38;
	[tilespmem:$0x1A000] =	vst v63  }
0x248: {  	s7 =	simm.s32 $0x15000;
	s6 =	sadd.s32 $0x200, s0  }
0x249: {  	[hbm4b:s6+s3] =	stream.linear.scatter [tilespmem:s7], [sflag:$0x4], $0x200, $0x38;
	[tilespmem:$0x1A000] =	vst v63  }
0x24a: {  	s9 =	simm.s32 $0x15400;
	s8 =	sadd.s32 $0x280, s0  }
0x24b: {  	[hbm4b:s8+s3] =	stream.linear.scatter [tilespmem:s9], [sflag:$0x4], $0x200, $0x38;
	[tilespmem:$0x1A000] =	vst v63  }
0x24c: {  	s11 =	simm.s32 $0x15800;
	s10 =	sadd.s32 $0x300, s0  }
0x24d: {  	[hbm4b:s10+s3] =	stream.linear.scatter [tilespmem:s11], [sflag:$0x4], $0x200, $0x38;
	[tilespmem:$0x1A000] =	vst v63  }
0x24e: {  	s12 =	simm.s32 $0x15C00;
	s13 =	sor.u32 $0x60040, s21;
	s0 =	sadd.s32 $0x380, s0  }
0x24f: {  	[hbm4b:s0+s3] =	stream.linear.scatter [tilespmem:s12], [sflag:$0x4], $0x200, $0x38;
	[tilespmem:$0x1A000] =	vst v63  }
0x250: {  	s14 =	simm.s32 $0x14200;
	s0 =	sadd.s32 s2, s13  }
0x251: {  	[hbm4b:s0+s3] =	stream.linear.scatter [tilespmem:s14], [sflag:$0x4], $0x200, $0x38;
	[tilespmem:$0x1A000] =	vst v63  }
0x252: {  	s17 =	simm.s32 $0x14600;
	s15 =	sadd.s32 $0x80, s0  }
0x253: {  	[hbm4b:s15+s3] =	stream.linear.scatter [tilespmem:s17], [sflag:$0x4], $0x200, $0x38;
	[tilespmem:$0x1A000] =	vst v63  }
0x254: {  	s22 =	simm.s32 $0x14A00;
	s18 =	sadd.s32 $0x100, s0  }
0x255: {  	[hbm4b:s18+s3] =	stream.linear.scatter [tilespmem:s22], [sflag:$0x4], $0x200, $0x38;
	[tilespmem:$0x1A000] =	vst v63  }
0x256: {  	s24 =	simm.s32 $0x14E00;
	s23 =	sadd.s32 $0x180, s0  }
0x257: {  	[hbm4b:s23+s3] =	stream.linear.scatter [tilespmem:s24], [sflag:$0x4], $0x200, $0x38;
	[tilespmem:$0x1A000] =	vst v63  }
0x258: {  	s26 =	simm.s32 $0x15200;
	s25 =	sadd.s32 $0x200, s0  }
0x259: {  	[hbm4b:s25+s3] =	stream.linear.scatter [tilespmem:s26], [sflag:$0x4], $0x200, $0x38;
	[tilespmem:$0x1A000] =	vst v63  }
0x25a: {  	s29 =	simm.s32 $0x15600;
	s28 =	sadd.s32 $0x280, s0  }
0x25b: {  	[hbm4b:s28+s3] =	stream.linear.scatter [tilespmem:s29], [sflag:$0x4], $0x200, $0x38;
	[tilespmem:$0x1A000] =	vst v63  }
0x25c: {  	s6 =	simm.s32 $0x15A00;
	s5 =	sadd.s32 $0x300, s0  }
0x25d: {  	[hbm4b:s5+s3] =	stream.linear.scatter [tilespmem:s6], [sflag:$0x4], $0x200, $0x38;
	[tilespmem:$0x1A000] =	vst v63  }
0x25e: {  	s7 =	simm.s32 $0x15E00;
	s8 =	sor.u32 $0x80040, s21;
	s0 =	sadd.s32 $0x380, s0  }
0x25f: {  	[hbm4b:s0+s3] =	stream.linear.scatter [tilespmem:s7], [sflag:$0x4], $0x200, $0x38;
	[tilespmem:$0x1A000] =	vst v63  }
0x260: {  	s9 =	simm.s32 $0x16000;
	s0 =	sadd.s32 s2, s8  }
0x261: {  	[hbm4b:s0+s3] =	stream.linear.scatter [tilespmem:s9], [sflag:$0x4], $0x200, $0x38;
	[tilespmem:$0x1A000] =	vst v63  }
0x262: {  	s11 =	simm.s32 $0x16400;
	s10 =	sadd.s32 $0x80, s0  }
0x263: {  	[hbm4b:s10+s3] =	stream.linear.scatter [tilespmem:s11], [sflag:$0x4], $0x200, $0x38;
	[tilespmem:$0x1A000] =	vst v63  }
0x264: {  	s13 =	simm.s32 $0x16800;
	s12 =	sadd.s32 $0x100, s0  }
0x265: {  	[hbm4b:s12+s3] =	stream.linear.scatter [tilespmem:s13], [sflag:$0x4], $0x200, $0x38;
	[tilespmem:$0x1A000] =	vst v63  }
0x266: {  	s15 =	simm.s32 $0x16C00;
	s14 =	sadd.s32 $0x180, s0  }
0x267: {  	[hbm4b:s14+s3] =	stream.linear.scatter [tilespmem:s15], [sflag:$0x4], $0x200, $0x38;
	[tilespmem:$0x1A000] =	vst v63  }
0x268: {  	s18 =	simm.s32 $0x17000;
	s17 =	sadd.s32 $0x200, s0  }
0x269: {  	[hbm4b:s17+s3] =	stream.linear.scatter [tilespmem:s18], [sflag:$0x4], $0x200, $0x38;
	[tilespmem:$0x1A000] =	vst v63  }
0x26a: {  	s23 =	simm.s32 $0x17400;
	s22 =	sadd.s32 $0x280, s0  }
0x26b: {  	[hbm4b:s22+s3] =	stream.linear.scatter [tilespmem:s23], [sflag:$0x4], $0x200, $0x38;
	[tilespmem:$0x1A000] =	vst v63  }
0x26c: {  	s25 =	simm.s32 $0x17800;
	s24 =	sadd.s32 $0x300, s0  }
0x26d: {  	[hbm4b:s24+s3] =	stream.linear.scatter [tilespmem:s25], [sflag:$0x4], $0x200, $0x38;
	[tilespmem:$0x1A000] =	vst v63  }
0x26e: {  	s26 =	simm.s32 $0x17C00;
	s28 =	sor.u32 $0xA0040, s21;
	s0 =	sadd.s32 $0x380, s0  }
0x26f: {  	[hbm4b:s0+s3] =	stream.linear.scatter [tilespmem:s26], [sflag:$0x4], $0x200, $0x38;
	[tilespmem:$0x1A000] =	vst v63  }
0x270: {  	s29 =	simm.s32 $0x16200;
	s0 =	sadd.s32 s2, s28  }
0x271: {  	[hbm4b:s0+s3] =	stream.linear.scatter [tilespmem:s29], [sflag:$0x4], $0x200, $0x38;
	[tilespmem:$0x1A000] =	vst v63  }
0x272: {  	s5 =	simm.s32 $0x16600;
	s4 =	sadd.s32 $0x80, s0  }
0x273: {  	[hbm4b:s4+s3] =	stream.linear.scatter [tilespmem:s5], [sflag:$0x4], $0x200, $0x38;
	[tilespmem:$0x1A000] =	vst v63  }
0x274: {  	s7 =	simm.s32 $0x16A00;
	s6 =	sadd.s32 $0x100, s0  }
0x275: {  	[hbm4b:s6+s3] =	stream.linear.scatter [tilespmem:s7], [sflag:$0x4], $0x200, $0x38;
	[tilespmem:$0x1A000] =	vst v63  }
0x276: {  	s9 =	simm.s32 $0x16E00;
	s8 =	sadd.s32 $0x180, s0  }
0x277: {  	[hbm4b:s8+s3] =	stream.linear.scatter [tilespmem:s9], [sflag:$0x4], $0x200, $0x38;
	[tilespmem:$0x1A000] =	vst v63  }
0x278: {  	s11 =	simm.s32 $0x17200;
	s10 =	sadd.s32 $0x200, s0  }
0x279: {  	[hbm4b:s10+s3] =	stream.linear.scatter [tilespmem:s11], [sflag:$0x4], $0x200, $0x38;
	[tilespmem:$0x1A000] =	vst v63  }
0x27a: {  	s13 =	simm.s32 $0x17600;
	s12 =	sadd.s32 $0x280, s0  }
0x27b: {  	[hbm4b:s12+s3] =	stream.linear.scatter [tilespmem:s13], [sflag:$0x4], $0x200, $0x38;
	[tilespmem:$0x1A000] =	vst v63  }
0x27c: {  	s15 =	simm.s32 $0x17A00;
	s14 =	sadd.s32 $0x300, s0  }
0x27d: {  	[hbm4b:s14+s3] =	stream.linear.scatter [tilespmem:s15], [sflag:$0x4], $0x200, $0x38;
	[tilespmem:$0x1A000] =	vst v63  }
0x27e: {  	s17 =	simm.s32 $0x17E00;
	s18 =	sor.u32 $0xC0040, s21;
	s0 =	sadd.s32 $0x380, s0  }
0x27f: {  	[hbm4b:s0+s3] =	stream.linear.scatter [tilespmem:s17], [sflag:$0x4], $0x200, $0x38;
	[tilespmem:$0x1A000] =	vst v63  }
0x280: {  	s22 =	simm.s32 $0x18000;
	s0 =	sadd.s32 s2, s18  }
0x281: {  	[hbm4b:s0+s3] =	stream.linear.scatter [tilespmem:s22], [sflag:$0x4], $0x200, $0x38;
	[tilespmem:$0x1A000] =	vst v63  }
0x282: {  	s24 =	simm.s32 $0x18400;
	s23 =	sadd.s32 $0x80, s0  }
0x283: {  	[hbm4b:s23+s3] =	stream.linear.scatter [tilespmem:s24], [sflag:$0x4], $0x200, $0x38;
	[tilespmem:$0x1A000] =	vst v63  }
0x284: {  	s26 =	simm.s32 $0x18800;
	s25 =	sadd.s32 $0x100, s0  }
0x285: {  	[hbm4b:s25+s3] =	stream.linear.scatter [tilespmem:s26], [sflag:$0x4], $0x200, $0x38;
	[tilespmem:$0x1A000] =	vst v63  }
0x286: {  	s29 =	simm.s32 $0x18C00;
	s28 =	sadd.s32 $0x180, s0  }
0x287: {  	[hbm4b:s28+s3] =	stream.linear.scatter [tilespmem:s29], [sflag:$0x4], $0x200, $0x38;
	[tilespmem:$0x1A000] =	vst v63  }
0x288: {  	s5 =	simm.s32 $0x19000;
	s4 =	sadd.s32 $0x200, s0  }
0x289: {  	[hbm4b:s4+s3] =	stream.linear.scatter [tilespmem:s5], [sflag:$0x4], $0x200, $0x38;
	[tilespmem:$0x1A000] =	vst v63  }
0x28a: {  	s7 =	simm.s32 $0x19400;
	s6 =	sadd.s32 $0x280, s0  }
0x28b: {  	[hbm4b:s6+s3] =	stream.linear.scatter [tilespmem:s7], [sflag:$0x4], $0x200, $0x38;
	[tilespmem:$0x1A000] =	vst v63  }
0x28c: {  	s9 =	simm.s32 $0x19800;
	s8 =	sadd.s32 $0x300, s0  }
0x28d: {  	[hbm4b:s8+s3] =	stream.linear.scatter [tilespmem:s9], [sflag:$0x4], $0x200, $0x38;
	[tilespmem:$0x1A000] =	vst v63  }
0x28e: {  	s10 =	simm.s32 $0x19C00;
	s11 =	sor.u32 $0xE0040, s21;
	s0 =	sadd.s32 $0x380, s0  }
0x28f: {  	[hbm4b:s0+s3] =	stream.linear.scatter [tilespmem:s10], [sflag:$0x4], $0x200, $0x38;
	[tilespmem:$0x1A000] =	vst v63  }
0x290: {  	s12 =	simm.s32 $0x18200;
	s0 =	sadd.s32 s2, s11  }
0x291: {  	[hbm4b:s0+s3] =	stream.linear.scatter [tilespmem:s12], [sflag:$0x4], $0x200, $0x38;
	[tilespmem:$0x1A000] =	vst v63  }
0x292: {  	s14 =	simm.s32 $0x18600;
	s13 =	sadd.s32 $0x80, s0  }
0x293: {  	[hbm4b:s13+s3] =	stream.linear.scatter [tilespmem:s14], [sflag:$0x4], $0x200, $0x38;
	[tilespmem:$0x1A000] =	vst v63  }
0x294: {  	s17 =	simm.s32 $0x18A00;
	s15 =	sadd.s32 $0x100, s0  }
0x295: {  	[hbm4b:s15+s3] =	stream.linear.scatter [tilespmem:s17], [sflag:$0x4], $0x200, $0x38;
	[tilespmem:$0x1A000] =	vst v63  }
0x296: {  	s21 =	simm.s32 $0x18E00;
	s18 =	sadd.s32 $0x180, s0  }
0x297: {  	[hbm4b:s18+s3] =	stream.linear.scatter [tilespmem:s21], [sflag:$0x4], $0x200, $0x38;
	[tilespmem:$0x1A000] =	vst v63  }
0x298: {  	s23 =	simm.s32 $0x19200;
	s22 =	sadd.s32 $0x200, s0  }
0x299: {  	[hbm4b:s22+s3] =	stream.linear.scatter [tilespmem:s23], [sflag:$0x4], $0x200, $0x38;
	[tilespmem:$0x1A000] =	vst v63  }
0x29a: {  	p0 =	seq.s32 s30, $0xF;
	s25 =	simm.s32 $0x19600;
	s24 =	sadd.s32 $0x280, s0  }
0x29b: {  	[hbm4b:s24+s3] =	stream.linear.scatter [tilespmem:s25], [sflag:$0x4], $0x200, $0x38;
	[tilespmem:$0x1A000] =	vst v63  }
.Ltmp7:
0x29c: {  	_ = 	snop;
	(pc) =	sbr.rel @p0 .LBB2_12-.Ltmp7, $4  }
0x29d: {  	s28 =	simm.s32 $0x19A00;
	s26 =	sadd.s32 $0x300, s0  }
0x29e: {  	[hbm4b:s26+s3] =	stream.linear.scatter [tilespmem:s28], [sflag:$0x4], $0x200, $0x38;
	[tilespmem:$0x1A000] =	vst v63  }
0x29f: {  	s29 =	simm.s32 $0x19E00;
	s0 =	sadd.s32 $0x380, s0  }
0x2a0: {  	[hbm4b:s0+s3] =	stream.linear.scatter [tilespmem:s29], [sflag:$0x4], $0x200, $0x38;
	[tilespmem:$0x1A000] =	vst v63  }
0x2a1: {  	s0 =	rddreg [dreg:$0x12]  }
0x2a2: {  	s1 =	simm.s32 $0x8200;
	s0 =	sadd.s32 s16, s0  }
0x2a3: {  	[tilespmem:s1], [sflag:$0x2] =	stream.linear.gather [hbm4b:s0+s3], $0x200, $0x38;
	[tilespmem:$0x1A000] =	vst v63  }
0x2a4: {  	s4 =	simm.s32 $0x8600;
	s15 =	sadd.s32 $0x80, s0  }
0x2a5: {  	[tilespmem:s4], [sflag:$0x2] =	stream.linear.gather [hbm4b:s15+s3], $0x200, $0x38;
	[tilespmem:$0x1A000] =	vst v63  }
0x2a6: {  	s17 =	simm.s32 $0x8A00;
	s16 =	sadd.s32 $0x100, s0  }
0x2a7: {  	[tilespmem:s17], [sflag:$0x2] =	stream.linear.gather [hbm4b:s16+s3], $0x200, $0x38;
	[tilespmem:$0x1A000] =	vst v63  }
0x2a8: {  	s21 =	simm.s32 $0x8E00;
	s18 =	sadd.s32 $0x180, s0  }
0x2a9: {  	[tilespmem:s21], [sflag:$0x2] =	stream.linear.gather [hbm4b:s18+s3], $0x200, $0x38;
	[tilespmem:$0x1A000] =	vst v63  }
0x2aa: {  	s23 =	simm.s32 $0x9200;
	s22 =	sadd.s32 $0x200, s0  }
0x2ab: {  	[tilespmem:s23], [sflag:$0x2] =	stream.linear.gather [hbm4b:s22+s3], $0x200, $0x38;
	[tilespmem:$0x1A000] =	vst v63  }
0x2ac: {  	s25 =	simm.s32 $0x9600;
	s24 =	sadd.s32 $0x280, s0  }
0x2ad: {  	[tilespmem:s25], [sflag:$0x2] =	stream.linear.gather [hbm4b:s24+s3], $0x200, $0x38;
	[tilespmem:$0x1A000] =	vst v63  }
.Ltmp8:
0x2ae: {  	_ = 	snop;
	(pc) =	sbr.rel .LBB2_2-.Ltmp8, $4  }
0x2af: {  	s28 =	simm.s32 $0x9A00;
	s26 =	sadd.s32 $0x300, s0  }
0x2b0: {  	[tilespmem:s28], [sflag:$0x2] =	stream.linear.gather [hbm4b:s26+s3], $0x200, $0x38;
	[tilespmem:$0x1A000] =	vst v63  }
0x2b1: {  	s29 =	simm.s32 $0x9E00;
	s30 =	sadd.s32 $0x1, s30;
	s0 =	sadd.s32 $0x380, s0  }
0x2b2: {  	[tilespmem:s29], [sflag:$0x2] =	stream.linear.gather [hbm4b:s0+s3], $0x200, $0x38;
	[tilespmem:$0x1A000] =	vst v63  }
.LBB2_13:
0x2b3: {  	_ =	sfence.sel $0x180000  }
0x2b4: {  	[bflag:$0x0] =	sbarrier.arrive $0xFFFF  }
0x2b5: {  	_ =	strace $0x90000047  }
0x2b6: {  	s0 =	stileid.u32;
	[bflag:$0x2] =	sbarrier.arrive $0xFFFF  }
0x2b7: {  	p0 =	sne.s32 s0, $0x0;
	s0 =	rddreg [dreg:$0x3]  }
0x2b8: {  	s0 =	sadd.s32 @!p0 $0x100000, s0  }
0x2b9: {  	[sflag:s0] =	ssyncadd.tile.s32 @!p0 $0x1;
	_ =	shalt  }
.Lfunc_end2:
_tile_overlayer_lowered:
.L_overlay_start_2:
0x2ba: {  	(tag) =	ssettag $0x2  }
0x2bb: {  	s0 =	rddreg [dreg:$0x0];
	s2 =	stileid.u32  }
0x2bc: {  	s1 =	rddreg [dreg:$0x1];
	p0 =	sne.s32 s2, $0x0  }
0x2bd: {  	s3 =	rddreg [dreg:$0x2];
	[bflag:$0x3] =	sbarrier.arrive $0xFFFF;
	s2 =	simm.s32 @!p0 $0x1C05  }
0x2be: {  	[timem:s3], [sflag:s2] =	dma.local @!p0 [hbm:s0], s1  }
0x2bf: {  	s0 =	simm.s32 @!p0 $0x5  }
0x2c0: {  	_ =	swait.ge @!p0 [sflag:s0], s1  }
0x2c1: {  	s1 =	ssub.s32 @!p0 $0x0, s1;
	[sflag:s0] =	ssyncset.done @!p0 $0x0  }
0x2c2: {  	[sflag:s0] =	ssyncadd.s32 @!p0 s1  }
0x2c3: {  	[bflag:$0x3] =	sbarrier.arrive $0xFFFF  }
0x2c4: {  	_ =	shalt  }

</sc_bundles>
